<compile_context>
chip_gen: v7x
topology: tpu7x:2x2x1
jax: 0.10.2.dev20260603
libtpu: 0.0.44.dev20260713+nightly
codegen_flags: <defaults>
</compile_context>

<pallas_src>
import functools

import jax
import jax.numpy as jnp
from jax import lax
from jax.experimental import pallas as pl
from jax.experimental.pallas import tpu as pltpu
from jax.experimental.pallas import tpu_sc as plsc


def _make_sc_add(N, S, D, num_cores, num_subcores):
    NW = num_cores * num_subcores
    rows_per_w = S // NW
    T = 8
    steps = rows_per_w // T
    VPR = D // 16

    mesh = plsc.VectorSubcoreMesh(core_axis_name="c", subcore_axis_name="s")

    @functools.partial(
        pl.kernel,
        out_type=jax.ShapeDtypeStruct((N, S, D), jnp.float32),
        mesh=mesh,
        scratch_types=[
            pltpu.VMEM((T, D), jnp.float32),
            pltpu.VMEM((T, D), jnp.float32),
        ]
        + [pltpu.VMEM((T, D), jnp.float32) for _ in range(2 * N)]
        + [pltpu.SemaphoreType.DMA for _ in range(2 + 4 * N)],
    )
    def sc_add(x_hbm, t_hbm, o_hbm, tb0, tb1, *rest):
        xball = rest[:2 * N]
        ts = rest[2 * N:2 * N + 2]
        xsall = rest[2 * N + 2:2 * N + 2 + 2 * N]
        ssall = rest[2 * N + 2 + 2 * N:]

        setA = (xball[:N], xsall[:N], ssall[:N])
        setB = (xball[N:], xsall[N:], ssall[N:])

        wid = lax.axis_index("s") * num_cores + lax.axis_index("c")
        row0 = wid * rows_per_w

        def t_slice(si):
            return t_hbm.at[pl.ds(row0 + si * T, T), :]

        def x_slice(si, n):
            return x_hbm.at[n, pl.ds(row0 + si * T, T), :]

        def o_slice(si, n):
            return o_hbm.at[n, pl.ds(row0 + si * T, T), :]

        def add_chunk(xbuf, tbuf):
            @plsc.parallel_loop(0, T * VPR, unroll=8)
            def _add(i):
                r = i // VPR
                c = (i % VPR) * 16
                plsc.addupdate(xbuf.at[r, pl.ds(c, 16)], tbuf[r, pl.ds(c, 16)])

        def group(si, this, other, tb_this, ts_this, tb_other, ts_other):
            xb_t, xs_t, ss_t = this
            xb_o, xs_o, ss_o = other

            @pl.when(si + 1 < steps)
            def _():
                pltpu.make_async_copy(t_slice(si + 1), tb_other, ts_other).start()
                for n in range(N):
                    @pl.when(si >= 1)
                    def _():
                        pltpu.make_async_copy(
                            xb_o[n], o_slice(si - 1, n), ss_o[n]).wait()
                    pltpu.make_async_copy(
                        x_slice(si + 1, n), xb_o[n], xs_o[n]).start()

            pltpu.make_async_copy(t_slice(si), tb_this, ts_this).wait()
            for n in range(N):
                pltpu.make_async_copy(x_slice(si, n), xb_t[n], xs_t[n]).wait()
                add_chunk(xb_t[n], tb_this)
                pltpu.make_async_copy(xb_t[n], o_slice(si, n), ss_t[n]).start()

        pltpu.make_async_copy(t_slice(0), tb0, ts[0]).start()
        for n in range(N):
            pltpu.make_async_copy(x_slice(0, n), setA[0][n], setA[1][n]).start()

        def body(so, c):
            group(2 * so, setA, setB, tb0, ts[0], tb1, ts[1])
            group(2 * so + 1, setB, setA, tb1, ts[1], tb0, ts[0])
            return c

        lax.fori_loop(0, steps // 2, body, 0)

        for si in (steps - 2, steps - 1):
            st = setB if si % 2 else setA
            for n in range(N):
                pltpu.make_async_copy(st[0][n], o_slice(si, n), st[2][n]).wait()

    return sc_add


def kernel(x, pos_table):
    N, S, D = x.shape
    info = plsc.get_sparse_core_info()
    sc_add = _make_sc_add(N, S, D, info.num_cores, info.num_subcores)
    return sc_add(x, pos_table)

# --- scband reference (transcript-rebuilt; emitter-appended) ---
"""Pipeline reference for scband-positional-encoding-79766132621428 (READ-ONLY COPY).

The authoritative reference and input builder live on the scoring server;
editing this copy changes nothing except your own understanding.
"""

import jax, jax.numpy as jnp
import numpy as np


def setup_inputs(seed: int = 0) -> dict:
    key = jax.random.key(seed)
    k1, k2 = jax.random.split(key)
    x = jax.random.normal(k1, (4, 8192, 1024), dtype=jnp.float32)
    # learned positional embedding table: nn.Embedding(max_len=8192, embed_size=1024)
    pos_table = jax.random.normal(k2, (8192, 1024), dtype=jnp.float32) * 0.02
    return {"x": x, "pos_table": pos_table}


def reference(x, pos_table):
    N, seq_len, _ = x.shape
    positions = jnp.broadcast_to(jnp.arange(seq_len)[None, :], (N, seq_len))
    pos_embed = jnp.take(pos_table, positions, axis=0)  # embedding lookup -> [N, seq_len, embed]
    return x + pos_embed

if __name__ == "__main__":
    import jax
    _d = setup_inputs()
    print(jax.jit(kernel)(*tuple(_d.values())))

</pallas_src>

<mosaic_0001>
#map = affine_map<(d0, d1) -> (0, 0, 0)>
#map1 = affine_map<(d0, d1) -> (0, 0)>
module attributes {stable_mosaic.version = 14 : i64} {
  func.func @sc_add(%arg0: i32, %arg1: i32, %arg2: memref<4x8192x1024xf32, #tpu.memory_space<hbm>>, %arg3: memref<8192x1024xf32, #tpu.memory_space<hbm>>, %arg4: memref<4x8192x1024xf32, #tpu.memory_space<hbm>>, %arg5: memref<8x1024xf32, #tpu.memory_space<vmem>>, %arg6: memref<8x1024xf32, #tpu.memory_space<vmem>>, %arg7: memref<8x1024xf32, #tpu.memory_space<vmem>>, %arg8: memref<8x1024xf32, #tpu.memory_space<vmem>>, %arg9: memref<8x1024xf32, #tpu.memory_space<vmem>>, %arg10: memref<8x1024xf32, #tpu.memory_space<vmem>>, %arg11: memref<8x1024xf32, #tpu.memory_space<vmem>>, %arg12: memref<8x1024xf32, #tpu.memory_space<vmem>>, %arg13: memref<8x1024xf32, #tpu.memory_space<vmem>>, %arg14: memref<8x1024xf32, #tpu.memory_space<vmem>>, %arg15: memref<!tpu.dma_semaphore, #tpu.memory_space<semaphore_mem>>, %arg16: memref<!tpu.dma_semaphore, #tpu.memory_space<semaphore_mem>>, %arg17: memref<!tpu.dma_semaphore, #tpu.memory_space<semaphore_mem>>, %arg18: memref<!tpu.dma_semaphore, #tpu.memory_space<semaphore_mem>>, %arg19: memref<!tpu.dma_semaphore, #tpu.memory_space<semaphore_mem>>, %arg20: memref<!tpu.dma_semaphore, #tpu.memory_space<semaphore_mem>>, %arg21: memref<!tpu.dma_semaphore, #tpu.memory_space<semaphore_mem>>, %arg22: memref<!tpu.dma_semaphore, #tpu.memory_space<semaphore_mem>>, %arg23: memref<!tpu.dma_semaphore, #tpu.memory_space<semaphore_mem>>, %arg24: memref<!tpu.dma_semaphore, #tpu.memory_space<semaphore_mem>>, %arg25: memref<!tpu.dma_semaphore, #tpu.memory_space<semaphore_mem>>, %arg26: memref<!tpu.dma_semaphore, #tpu.memory_space<semaphore_mem>>, %arg27: memref<!tpu.dma_semaphore, #tpu.memory_space<semaphore_mem>>, %arg28: memref<!tpu.dma_semaphore, #tpu.memory_space<semaphore_mem>>, %arg29: memref<!tpu.dma_semaphore, #tpu.memory_space<semaphore_mem>>, %arg30: memref<!tpu.dma_semaphore, #tpu.memory_space<semaphore_mem>>, %arg31: memref<!tpu.dma_semaphore, #tpu.memory_space<semaphore_mem>>, %arg32: memref<!tpu.dma_semaphore, #tpu.memory_space<semaphore_mem>>) attributes {dimension_semantics = [#tpu.dimension_semantics<core_parallel>, #tpu.dimension_semantics<subcore_parallel>], iteration_bounds = array<i64: 2, 16>, scalar_prefetch = 0 : i64, scratch_operands = 28 : i64, tpu.core_type = #tpu.core_type<sc_vector_subcore>, window_params = [{transform_indices = #map}, {transform_indices = #map1}, {transform_indices = #map}]} {
    %mul3A = arith.constant 2 : i32
    %mul3A_0 = arith.muli %arg1, %mul3A : i32
    %add3A = arith.addi %mul3A_0, %arg0 : i32
    %mul3A_1 = arith.constant 256 : i32
    %mul3A_2 = arith.muli %add3A, %mul3A_1 : i32
    %add3A_3 = arith.constant 0 : i32
    %add3A_4 = arith.addi %mul3A_2, %add3A_3 : i32
    %dma_start3A = arith.constant 0 : i32
    %dma_start3A_5 = tpu.memref_slice %arg3[%add3A_4, %dma_start3A] : memref<8192x1024xf32, #tpu.memory_space<hbm>> -> memref<8x1024xf32, #tpu.memory_space<hbm>>
    %dma_start3A_6 = arith.constant 0 : i32
    %dma_start3A_7 = tpu.memref_slice %arg3[%add3A_4, %dma_start3A_6] : memref<8192x1024xf32, #tpu.memory_space<hbm>> -> memref<8x1024xf32, #tpu.memory_space<hbm>>
    tpu.enqueue_dma source(%dma_start3A_7 : memref<8x1024xf32, #tpu.memory_space<hbm>>) target(%arg5 : memref<8x1024xf32, #tpu.memory_space<vmem>>) target_semaphore(%arg15 : memref<!tpu.dma_semaphore, #tpu.memory_space<semaphore_mem>>)
    %add3A_8 = arith.constant 0 : i32
    %add3A_9 = arith.addi %mul3A_2, %add3A_8 : i32
    %dma_start3A_10 = arith.constant 0 : i32
    %dma_start3A_11 = arith.constant 0 : i32
    %dma_start3A_12 = tpu.memref_slice %arg2[%dma_start3A_10, %add3A_9, %dma_start3A_11] : memref<4x8192x1024xf32, #tpu.memory_space<hbm>> -> memref<1x8x1024xf32, #tpu.memory_space<hbm>>
    %dma_start3A_13 = tpu.memref_squeeze %dma_start3A_12 : memref<1x8x1024xf32, #tpu.memory_space<hbm>> -> memref<8x1024xf32, #tpu.memory_space<hbm>>
    %dma_start3A_14 = arith.constant 0 : i32
    %dma_start3A_15 = tpu.memref_slice %arg2[%dma_start3A_10, %add3A_9, %dma_start3A_14] : memref<4x8192x1024xf32, #tpu.memory_space<hbm>> -> memref<1x8x1024xf32, #tpu.memory_space<hbm>>
    %dma_start3A_16 = tpu.memref_squeeze %dma_start3A_15 : memref<1x8x1024xf32, #tpu.memory_space<hbm>> -> memref<8x1024xf32, #tpu.memory_space<hbm>>
    tpu.enqueue_dma source(%dma_start3A_16 : memref<8x1024xf32, #tpu.memory_space<hbm>>) target(%arg7 : memref<8x1024xf32, #tpu.memory_space<vmem>>) target_semaphore(%arg17 : memref<!tpu.dma_semaphore, #tpu.memory_space<semaphore_mem>>)
    %add3A_17 = arith.constant 0 : i32
    %add3A_18 = arith.addi %mul3A_2, %add3A_17 : i32
    %dma_start3A_19 = arith.constant 1 : i32
    %dma_start3A_20 = arith.constant 0 : i32
    %dma_start3A_21 = tpu.memref_slice %arg2[%dma_start3A_19, %add3A_18, %dma_start3A_20] : memref<4x8192x1024xf32, #tpu.memory_space<hbm>> -> memref<1x8x1024xf32, #tpu.memory_space<hbm>>
    %dma_start3A_22 = tpu.memref_squeeze %dma_start3A_21 : memref<1x8x1024xf32, #tpu.memory_space<hbm>> -> memref<8x1024xf32, #tpu.memory_space<hbm>>
    %dma_start3A_23 = arith.constant 0 : i32
    %dma_start3A_24 = tpu.memref_slice %arg2[%dma_start3A_19, %add3A_18, %dma_start3A_23] : memref<4x8192x1024xf32, #tpu.memory_space<hbm>> -> memref<1x8x1024xf32, #tpu.memory_space<hbm>>
    %dma_start3A_25 = tpu.memref_squeeze %dma_start3A_24 : memref<1x8x1024xf32, #tpu.memory_space<hbm>> -> memref<8x1024xf32, #tpu.memory_space<hbm>>
    tpu.enqueue_dma source(%dma_start3A_25 : memref<8x1024xf32, #tpu.memory_space<hbm>>) target(%arg8 : memref<8x1024xf32, #tpu.memory_space<vmem>>) target_semaphore(%arg18 : memref<!tpu.dma_semaphore, #tpu.memory_space<semaphore_mem>>)
    %add3A_26 = arith.constant 0 : i32
    %add3A_27 = arith.addi %mul3A_2, %add3A_26 : i32
    %dma_start3A_28 = arith.constant 2 : i32
    %dma_start3A_29 = arith.constant 0 : i32
    %dma_start3A_30 = tpu.memref_slice %arg2[%dma_start3A_28, %add3A_27, %dma_start3A_29] : memref<4x8192x1024xf32, #tpu.memory_space<hbm>> -> memref<1x8x1024xf32, #tpu.memory_space<hbm>>
    %dma_start3A_31 = tpu.memref_squeeze %dma_start3A_30 : memref<1x8x1024xf32, #tpu.memory_space<hbm>> -> memref<8x1024xf32, #tpu.memory_space<hbm>>
    %dma_start3A_32 = arith.constant 0 : i32
    %dma_start3A_33 = tpu.memref_slice %arg2[%dma_start3A_28, %add3A_27, %dma_start3A_32] : memref<4x8192x1024xf32, #tpu.memory_space<hbm>> -> memref<1x8x1024xf32, #tpu.memory_space<hbm>>
    %dma_start3A_34 = tpu.memref_squeeze %dma_start3A_33 : memref<1x8x1024xf32, #tpu.memory_space<hbm>> -> memref<8x1024xf32, #tpu.memory_space<hbm>>
    tpu.enqueue_dma source(%dma_start3A_34 : memref<8x1024xf32, #tpu.memory_space<hbm>>) target(%arg9 : memref<8x1024xf32, #tpu.memory_space<vmem>>) target_semaphore(%arg19 : memref<!tpu.dma_semaphore, #tpu.memory_space<semaphore_mem>>)
    %add3A_35 = arith.constant 0 : i32
    %add3A_36 = arith.addi %mul3A_2, %add3A_35 : i32
    %dma_start3A_37 = arith.constant 3 : i32
    %dma_start3A_38 = arith.constant 0 : i32
    %dma_start3A_39 = tpu.memref_slice %arg2[%dma_start3A_37, %add3A_36, %dma_start3A_38] : memref<4x8192x1024xf32, #tpu.memory_space<hbm>> -> memref<1x8x1024xf32, #tpu.memory_space<hbm>>
    %dma_start3A_40 = tpu.memref_squeeze %dma_start3A_39 : memref<1x8x1024xf32, #tpu.memory_space<hbm>> -> memref<8x1024xf32, #tpu.memory_space<hbm>>
    %dma_start3A_41 = arith.constant 0 : i32
    %dma_start3A_42 = tpu.memref_slice %arg2[%dma_start3A_37, %add3A_36, %dma_start3A_41] : memref<4x8192x1024xf32, #tpu.memory_space<hbm>> -> memref<1x8x1024xf32, #tpu.memory_space<hbm>>
    %dma_start3A_43 = tpu.memref_squeeze %dma_start3A_42 : memref<1x8x1024xf32, #tpu.memory_space<hbm>> -> memref<8x1024xf32, #tpu.memory_space<hbm>>
    tpu.enqueue_dma source(%dma_start3A_43 : memref<8x1024xf32, #tpu.memory_space<hbm>>) target(%arg10 : memref<8x1024xf32, #tpu.memory_space<vmem>>) target_semaphore(%arg20 : memref<!tpu.dma_semaphore, #tpu.memory_space<semaphore_mem>>)
    %scan3A = arith.constant 0 : i32
    %scan3A_44 = arith.constant 0 : i32
    %scan3A_45 = arith.constant 16 : i32
    %scan3A_46 = arith.addi %scan3A_44, %scan3A_45 : i32
    %scan3A_47 = arith.constant 1 : i32
    scf.for %scan3A_120 = %scan3A_44 to %scan3A_46 step %scan3A_47  : i32 {
      %mul3A_121 = arith.constant 2 : i32
      %mul3A_122 = arith.muli %mul3A_121, %scan3A_120 : i32
      %add3A_123 = arith.constant 1 : i32
      %add3A_124 = arith.addi %mul3A_122, %add3A_123 : i32
      %lt3A = arith.constant 32 : i32
      %lt3A_125 = arith.cmpi slt, %add3A_124, %lt3A : i32
      %convert_element_type3A = arith.extui %lt3A_125 : i1 to i32
      %cond3A = arith.constant 0 : i32
      %cond3A_126 = arith.cmpi ne, %convert_element_type3A, %cond3A : i32
      scf.if %cond3A_126 {
        %add3A_335 = arith.constant 1 : i32
        %add3A_336 = arith.addi %mul3A_122, %add3A_335 : i32
        %mul3A_337 = arith.constant 8 : i32
        %mul3A_338 = arith.muli %add3A_336, %mul3A_337 : i32
        %add3A_339 = arith.addi %mul3A_2, %mul3A_338 : i32
        %dma_start3A_340 = arith.constant 0 : i32
        %dma_start3A_341 = tpu.memref_slice %arg3[%add3A_339, %dma_start3A_340] : memref<8192x1024xf32, #tpu.memory_space<hbm>> -> memref<8x1024xf32, #tpu.memory_space<hbm>>
        %dma_start3A_342 = arith.constant 0 : i32
        %dma_start3A_343 = tpu.memref_slice %arg3[%add3A_339, %dma_start3A_342] : memref<8192x1024xf32, #tpu.memory_space<hbm>> -> memref<8x1024xf32, #tpu.memory_space<hbm>>
        tpu.enqueue_dma source(%dma_start3A_343 : memref<8x1024xf32, #tpu.memory_space<hbm>>) target(%arg6 : memref<8x1024xf32, #tpu.memory_space<vmem>>) target_semaphore(%arg16 : memref<!tpu.dma_semaphore, #tpu.memory_space<semaphore_mem>>)
        %ge3A = arith.constant 1 : i32
        %ge3A_344 = arith.cmpi sge, %mul3A_122, %ge3A : i32
        %convert_element_type3A_345 = arith.extui %ge3A_344 : i1 to i32
        %cond3A_346 = arith.constant 0 : i32
        %cond3A_347 = arith.cmpi ne, %convert_element_type3A_345, %cond3A_346 : i32
        scf.if %cond3A_347 {
          %sub3A = arith.constant 1 : i32
          %sub3A_411 = arith.subi %mul3A_122, %sub3A : i32
          %mul3A_412 = arith.constant 8 : i32
          %mul3A_413 = arith.muli %sub3A_411, %mul3A_412 : i32
          %add3A_414 = arith.addi %mul3A_2, %mul3A_413 : i32
          %dma_wait3A_415 = arith.constant 0 : i32
          %dma_wait3A_416 = arith.constant 0 : i32
          %dma_wait3A_417 = tpu.memref_slice %arg4[%dma_wait3A_415, %add3A_414, %dma_wait3A_416] : memref<4x8192x1024xf32, #tpu.memory_space<hbm>> -> memref<1x8x1024xf32, #tpu.memory_space<hbm>>
          %dma_wait3A_418 = tpu.memref_squeeze %dma_wait3A_417 : memref<1x8x1024xf32, #tpu.memory_space<hbm>> -> memref<8x1024xf32, #tpu.memory_space<hbm>>
          %dma_wait3A_419 = arith.constant 0 : i32
          %dma_wait3A_420 = tpu.memref_slice %arg4[%dma_wait3A_415, %add3A_414, %dma_wait3A_419] : memref<4x8192x1024xf32, #tpu.memory_space<hbm>> -> memref<1x8x1024xf32, #tpu.memory_space<hbm>>
          %dma_wait3A_421 = tpu.memref_squeeze %dma_wait3A_420 : memref<1x8x1024xf32, #tpu.memory_space<hbm>> -> memref<8x1024xf32, #tpu.memory_space<hbm>>
          tpu.wait_dma2 semaphore(%arg29 : memref<!tpu.dma_semaphore, #tpu.memory_space<semaphore_mem>>) src(%arg11 : memref<8x1024xf32, #tpu.memory_space<vmem>>) dst(%dma_wait3A_421 : memref<8x1024xf32, #tpu.memory_space<hbm>>)
        } else {
        }
        %add3A_348 = arith.constant 1 : i32
        %add3A_349 = arith.addi %mul3A_122, %add3A_348 : i32
        %mul3A_350 = arith.constant 8 : i32
        %mul3A_351 = arith.muli %add3A_349, %mul3A_350 : i32
        %add3A_352 = arith.addi %mul3A_2, %mul3A_351 : i32
        %dma_start3A_353 = arith.constant 0 : i32
        %dma_start3A_354 = arith.constant 0 : i32
        %dma_start3A_355 = tpu.memref_slice %arg2[%dma_start3A_353, %add3A_352, %dma_start3A_354] : memref<4x8192x1024xf32, #tpu.memory_space<hbm>> -> memref<1x8x1024xf32, #tpu.memory_space<hbm>>
        %dma_start3A_356 = tpu.memref_squeeze %dma_start3A_355 : memref<1x8x1024xf32, #tpu.memory_space<hbm>> -> memref<8x1024xf32, #tpu.memory_space<hbm>>
        %dma_start3A_357 = arith.constant 0 : i32
        %dma_start3A_358 = tpu.memref_slice %arg2[%dma_start3A_353, %add3A_352, %dma_start3A_357] : memref<4x8192x1024xf32, #tpu.memory_space<hbm>> -> memref<1x8x1024xf32, #tpu.memory_space<hbm>>
        %dma_start3A_359 = tpu.memref_squeeze %dma_start3A_358 : memref<1x8x1024xf32, #tpu.memory_space<hbm>> -> memref<8x1024xf32, #tpu.memory_space<hbm>>
        tpu.enqueue_dma source(%dma_start3A_359 : memref<8x1024xf32, #tpu.memory_space<hbm>>) target(%arg11 : memref<8x1024xf32, #tpu.memory_space<vmem>>) target_semaphore(%arg21 : memref<!tpu.dma_semaphore, #tpu.memory_space<semaphore_mem>>)
        %ge3A_360 = arith.constant 1 : i32
        %ge3A_361 = arith.cmpi sge, %mul3A_122, %ge3A_360 : i32
        %convert_element_type3A_362 = arith.extui %ge3A_361 : i1 to i32
        %cond3A_363 = arith.constant 0 : i32
        %cond3A_364 = arith.cmpi ne, %convert_element_type3A_362, %cond3A_363 : i32
        scf.if %cond3A_364 {
          %sub3A = arith.constant 1 : i32
          %sub3A_411 = arith.subi %mul3A_122, %sub3A : i32
          %mul3A_412 = arith.constant 8 : i32
          %mul3A_413 = arith.muli %sub3A_411, %mul3A_412 : i32
          %add3A_414 = arith.addi %mul3A_2, %mul3A_413 : i32
          %dma_wait3A_415 = arith.constant 1 : i32
          %dma_wait3A_416 = arith.constant 0 : i32
          %dma_wait3A_417 = tpu.memref_slice %arg4[%dma_wait3A_415, %add3A_414, %dma_wait3A_416] : memref<4x8192x1024xf32, #tpu.memory_space<hbm>> -> memref<1x8x1024xf32, #tpu.memory_space<hbm>>
          %dma_wait3A_418 = tpu.memref_squeeze %dma_wait3A_417 : memref<1x8x1024xf32, #tpu.memory_space<hbm>> -> memref<8x1024xf32, #tpu.memory_space<hbm>>
          %dma_wait3A_419 = arith.constant 0 : i32
          %dma_wait3A_420 = tpu.memref_slice %arg4[%dma_wait3A_415, %add3A_414, %dma_wait3A_419] : memref<4x8192x1024xf32, #tpu.memory_space<hbm>> -> memref<1x8x1024xf32, #tpu.memory_space<hbm>>
          %dma_wait3A_421 = tpu.memref_squeeze %dma_wait3A_420 : memref<1x8x1024xf32, #tpu.memory_space<hbm>> -> memref<8x1024xf32, #tpu.memory_space<hbm>>
          tpu.wait_dma2 semaphore(%arg30 : memref<!tpu.dma_semaphore, #tpu.memory_space<semaphore_mem>>) src(%arg12 : memref<8x1024xf32, #tpu.memory_space<vmem>>) dst(%dma_wait3A_421 : memref<8x1024xf32, #tpu.memory_space<hbm>>)
        } else {
        }
        %add3A_365 = arith.constant 1 : i32
        %add3A_366 = arith.addi %mul3A_122, %add3A_365 : i32
        %mul3A_367 = arith.constant 8 : i32
        %mul3A_368 = arith.muli %add3A_366, %mul3A_367 : i32
        %add3A_369 = arith.addi %mul3A_2, %mul3A_368 : i32
        %dma_start3A_370 = arith.constant 1 : i32
        %dma_start3A_371 = arith.constant 0 : i32
        %dma_start3A_372 = tpu.memref_slice %arg2[%dma_start3A_370, %add3A_369, %dma_start3A_371] : memref<4x8192x1024xf32, #tpu.memory_space<hbm>> -> memref<1x8x1024xf32, #tpu.memory_space<hbm>>
        %dma_start3A_373 = tpu.memref_squeeze %dma_start3A_372 : memref<1x8x1024xf32, #tpu.memory_space<hbm>> -> memref<8x1024xf32, #tpu.memory_space<hbm>>
        %dma_start3A_374 = arith.constant 0 : i32
        %dma_start3A_375 = tpu.memref_slice %arg2[%dma_start3A_370, %add3A_369, %dma_start3A_374] : memref<4x8192x1024xf32, #tpu.memory_space<hbm>> -> memref<1x8x1024xf32, #tpu.memory_space<hbm>>
        %dma_start3A_376 = tpu.memref_squeeze %dma_start3A_375 : memref<1x8x1024xf32, #tpu.memory_space<hbm>> -> memref<8x1024xf32, #tpu.memory_space<hbm>>
        tpu.enqueue_dma source(%dma_start3A_376 : memref<8x1024xf32, #tpu.memory_space<hbm>>) target(%arg12 : memref<8x1024xf32, #tpu.memory_space<vmem>>) target_semaphore(%arg22 : memref<!tpu.dma_semaphore, #tpu.memory_space<semaphore_mem>>)
        %ge3A_377 = arith.constant 1 : i32
        %ge3A_378 = arith.cmpi sge, %mul3A_122, %ge3A_377 : i32
        %convert_element_type3A_379 = arith.extui %ge3A_378 : i1 to i32
        %cond3A_380 = arith.constant 0 : i32
        %cond3A_381 = arith.cmpi ne, %convert_element_type3A_379, %cond3A_380 : i32
        scf.if %cond3A_381 {
          %sub3A = arith.constant 1 : i32
          %sub3A_411 = arith.subi %mul3A_122, %sub3A : i32
          %mul3A_412 = arith.constant 8 : i32
          %mul3A_413 = arith.muli %sub3A_411, %mul3A_412 : i32
          %add3A_414 = arith.addi %mul3A_2, %mul3A_413 : i32
          %dma_wait3A_415 = arith.constant 2 : i32
          %dma_wait3A_416 = arith.constant 0 : i32
          %dma_wait3A_417 = tpu.memref_slice %arg4[%dma_wait3A_415, %add3A_414, %dma_wait3A_416] : memref<4x8192x1024xf32, #tpu.memory_space<hbm>> -> memref<1x8x1024xf32, #tpu.memory_space<hbm>>
          %dma_wait3A_418 = tpu.memref_squeeze %dma_wait3A_417 : memref<1x8x1024xf32, #tpu.memory_space<hbm>> -> memref<8x1024xf32, #tpu.memory_space<hbm>>
          %dma_wait3A_419 = arith.constant 0 : i32
          %dma_wait3A_420 = tpu.memref_slice %arg4[%dma_wait3A_415, %add3A_414, %dma_wait3A_419] : memref<4x8192x1024xf32, #tpu.memory_space<hbm>> -> memref<1x8x1024xf32, #tpu.memory_space<hbm>>
          %dma_wait3A_421 = tpu.memref_squeeze %dma_wait3A_420 : memref<1x8x1024xf32, #tpu.memory_space<hbm>> -> memref<8x1024xf32, #tpu.memory_space<hbm>>
          tpu.wait_dma2 semaphore(%arg31 : memref<!tpu.dma_semaphore, #tpu.memory_space<semaphore_mem>>) src(%arg13 : memref<8x1024xf32, #tpu.memory_space<vmem>>) dst(%dma_wait3A_421 : memref<8x1024xf32, #tpu.memory_space<hbm>>)
        } else {
        }
        %add3A_382 = arith.constant 1 : i32
        %add3A_383 = arith.addi %mul3A_122, %add3A_382 : i32
        %mul3A_384 = arith.constant 8 : i32
        %mul3A_385 = arith.muli %add3A_383, %mul3A_384 : i32
        %add3A_386 = arith.addi %mul3A_2, %mul3A_385 : i32
        %dma_start3A_387 = arith.constant 2 : i32
        %dma_start3A_388 = arith.constant 0 : i32
        %dma_start3A_389 = tpu.memref_slice %arg2[%dma_start3A_387, %add3A_386, %dma_start3A_388] : memref<4x8192x1024xf32, #tpu.memory_space<hbm>> -> memref<1x8x1024xf32, #tpu.memory_space<hbm>>
        %dma_start3A_390 = tpu.memref_squeeze %dma_start3A_389 : memref<1x8x1024xf32, #tpu.memory_space<hbm>> -> memref<8x1024xf32, #tpu.memory_space<hbm>>
        %dma_start3A_391 = arith.constant 0 : i32
        %dma_start3A_392 = tpu.memref_slice %arg2[%dma_start3A_387, %add3A_386, %dma_start3A_391] : memref<4x8192x1024xf32, #tpu.memory_space<hbm>> -> memref<1x8x1024xf32, #tpu.memory_space<hbm>>
        %dma_start3A_393 = tpu.memref_squeeze %dma_start3A_392 : memref<1x8x1024xf32, #tpu.memory_space<hbm>> -> memref<8x1024xf32, #tpu.memory_space<hbm>>
        tpu.enqueue_dma source(%dma_start3A_393 : memref<8x1024xf32, #tpu.memory_space<hbm>>) target(%arg13 : memref<8x1024xf32, #tpu.memory_space<vmem>>) target_semaphore(%arg23 : memref<!tpu.dma_semaphore, #tpu.memory_space<semaphore_mem>>)
        %ge3A_394 = arith.constant 1 : i32
        %ge3A_395 = arith.cmpi sge, %mul3A_122, %ge3A_394 : i32
        %convert_element_type3A_396 = arith.extui %ge3A_395 : i1 to i32
        %cond3A_397 = arith.constant 0 : i32
        %cond3A_398 = arith.cmpi ne, %convert_element_type3A_396, %cond3A_397 : i32
        scf.if %cond3A_398 {
          %sub3A = arith.constant 1 : i32
          %sub3A_411 = arith.subi %mul3A_122, %sub3A : i32
          %mul3A_412 = arith.constant 8 : i32
          %mul3A_413 = arith.muli %sub3A_411, %mul3A_412 : i32
          %add3A_414 = arith.addi %mul3A_2, %mul3A_413 : i32
          %dma_wait3A_415 = arith.constant 3 : i32
          %dma_wait3A_416 = arith.constant 0 : i32
          %dma_wait3A_417 = tpu.memref_slice %arg4[%dma_wait3A_415, %add3A_414, %dma_wait3A_416] : memref<4x8192x1024xf32, #tpu.memory_space<hbm>> -> memref<1x8x1024xf32, #tpu.memory_space<hbm>>
          %dma_wait3A_418 = tpu.memref_squeeze %dma_wait3A_417 : memref<1x8x1024xf32, #tpu.memory_space<hbm>> -> memref<8x1024xf32, #tpu.memory_space<hbm>>
          %dma_wait3A_419 = arith.constant 0 : i32
          %dma_wait3A_420 = tpu.memref_slice %arg4[%dma_wait3A_415, %add3A_414, %dma_wait3A_419] : memref<4x8192x1024xf32, #tpu.memory_space<hbm>> -> memref<1x8x1024xf32, #tpu.memory_space<hbm>>
          %dma_wait3A_421 = tpu.memref_squeeze %dma_wait3A_420 : memref<1x8x1024xf32, #tpu.memory_space<hbm>> -> memref<8x1024xf32, #tpu.memory_space<hbm>>
          tpu.wait_dma2 semaphore(%arg32 : memref<!tpu.dma_semaphore, #tpu.memory_space<semaphore_mem>>) src(%arg14 : memref<8x1024xf32, #tpu.memory_space<vmem>>) dst(%dma_wait3A_421 : memref<8x1024xf32, #tpu.memory_space<hbm>>)
        } else {
        }
        %add3A_399 = arith.constant 1 : i32
        %add3A_400 = arith.addi %mul3A_122, %add3A_399 : i32
        %mul3A_401 = arith.constant 8 : i32
        %mul3A_402 = arith.muli %add3A_400, %mul3A_401 : i32
        %add3A_403 = arith.addi %mul3A_2, %mul3A_402 : i32
        %dma_start3A_404 = arith.constant 3 : i32
        %dma_start3A_405 = arith.constant 0 : i32
        %dma_start3A_406 = tpu.memref_slice %arg2[%dma_start3A_404, %add3A_403, %dma_start3A_405] : memref<4x8192x1024xf32, #tpu.memory_space<hbm>> -> memref<1x8x1024xf32, #tpu.memory_space<hbm>>
        %dma_start3A_407 = tpu.memref_squeeze %dma_start3A_406 : memref<1x8x1024xf32, #tpu.memory_space<hbm>> -> memref<8x1024xf32, #tpu.memory_space<hbm>>
        %dma_start3A_408 = arith.constant 0 : i32
        %dma_start3A_409 = tpu.memref_slice %arg2[%dma_start3A_404, %add3A_403, %dma_start3A_408] : memref<4x8192x1024xf32, #tpu.memory_space<hbm>> -> memref<1x8x1024xf32, #tpu.memory_space<hbm>>
        %dma_start3A_410 = tpu.memref_squeeze %dma_start3A_409 : memref<1x8x1024xf32, #tpu.memory_space<hbm>> -> memref<8x1024xf32, #tpu.memory_space<hbm>>
        tpu.enqueue_dma source(%dma_start3A_410 : memref<8x1024xf32, #tpu.memory_space<hbm>>) target(%arg14 : memref<8x1024xf32, #tpu.memory_space<vmem>>) target_semaphore(%arg24 : memref<!tpu.dma_semaphore, #tpu.memory_space<semaphore_mem>>)
      } else {
      }
      %mul3A_127 = arith.constant 8 : i32
      %mul3A_128 = arith.muli %mul3A_122, %mul3A_127 : i32
      %add3A_129 = arith.addi %mul3A_2, %mul3A_128 : i32
      %dma_wait3A_130 = arith.constant 0 : i32
      %dma_wait3A_131 = tpu.memref_slice %arg3[%add3A_129, %dma_wait3A_130] : memref<8192x1024xf32, #tpu.memory_space<hbm>> -> memref<8x1024xf32, #tpu.memory_space<hbm>>
      %dma_wait3A_132 = arith.constant 0 : i32
      %dma_wait3A_133 = tpu.memref_slice %arg3[%add3A_129, %dma_wait3A_132] : memref<8192x1024xf32, #tpu.memory_space<hbm>> -> memref<8x1024xf32, #tpu.memory_space<hbm>>
      tpu.wait_dma2 semaphore(%arg15 : memref<!tpu.dma_semaphore, #tpu.memory_space<semaphore_mem>>) src(%dma_wait3A_133 : memref<8x1024xf32, #tpu.memory_space<hbm>>) dst(%arg5 : memref<8x1024xf32, #tpu.memory_space<vmem>>)
      %mul3A_134 = arith.constant 8 : i32
      %mul3A_135 = arith.muli %mul3A_122, %mul3A_134 : i32
      %add3A_136 = arith.addi %mul3A_2, %mul3A_135 : i32
      %dma_wait3A_137 = arith.constant 0 : i32
      %dma_wait3A_138 = arith.constant 0 : i32
      %dma_wait3A_139 = tpu.memref_slice %arg2[%dma_wait3A_137, %add3A_136, %dma_wait3A_138] : memref<4x8192x1024xf32, #tpu.memory_space<hbm>> -> memref<1x8x1024xf32, #tpu.memory_space<hbm>>
      %dma_wait3A_140 = tpu.memref_squeeze %dma_wait3A_139 : memref<1x8x1024xf32, #tpu.memory_space<hbm>> -> memref<8x1024xf32, #tpu.memory_space<hbm>>
      %dma_wait3A_141 = arith.constant 0 : i32
      %dma_wait3A_142 = tpu.memref_slice %arg2[%dma_wait3A_137, %add3A_136, %dma_wait3A_141] : memref<4x8192x1024xf32, #tpu.memory_space<hbm>> -> memref<1x8x1024xf32, #tpu.memory_space<hbm>>
      %dma_wait3A_143 = tpu.memref_squeeze %dma_wait3A_142 : memref<1x8x1024xf32, #tpu.memory_space<hbm>> -> memref<8x1024xf32, #tpu.memory_space<hbm>>
      tpu.wait_dma2 semaphore(%arg17 : memref<!tpu.dma_semaphore, #tpu.memory_space<semaphore_mem>>) src(%dma_wait3A_143 : memref<8x1024xf32, #tpu.memory_space<hbm>>) dst(%arg7 : memref<8x1024xf32, #tpu.memory_space<vmem>>)
      %parallel_loop3A = arith.constant 0 : i32
      %parallel_loop3A_144 = arith.constant 512 : i32
      %parallel_loop3A_145 = arith.constant 1 : i32
      scf.for %parallel_loop3A_335 = %parallel_loop3A to %parallel_loop3A_144 step %parallel_loop3A_145  : i32 {
        %parallel_loop3A_336 = arith.constant 64 : i32
        %parallel_loop3A_337 = arith.divsi %parallel_loop3A_335, %parallel_loop3A_336 : i32
        %parallel_loop3A_338 = arith.constant 0 : i32
        %parallel_loop3A_339 = arith.cmpi sgt, %parallel_loop3A_335, %parallel_loop3A_338 : i32
        %parallel_loop3A_340 = arith.extui %parallel_loop3A_339 : i1 to i32
        %parallel_loop3A_341 = arith.constant 0 : i32
        %parallel_loop3A_342 = arith.cmpi slt, %parallel_loop3A_335, %parallel_loop3A_341 : i32
        %parallel_loop3A_343 = arith.extui %parallel_loop3A_342 : i1 to i32
        %parallel_loop3A_344 = arith.subi %parallel_loop3A_340, %parallel_loop3A_343 : i32
        %parallel_loop3A_345 = arith.constant 0 : i32
        %parallel_loop3A_346 = arith.cmpi sgt, %parallel_loop3A_336, %parallel_loop3A_345 : i32
        %parallel_loop3A_347 = arith.extui %parallel_loop3A_346 : i1 to i32
        %parallel_loop3A_348 = arith.constant 0 : i32
        %parallel_loop3A_349 = arith.cmpi slt, %parallel_loop3A_336, %parallel_loop3A_348 : i32
        %parallel_loop3A_350 = arith.extui %parallel_loop3A_349 : i1 to i32
        %parallel_loop3A_351 = arith.subi %parallel_loop3A_347, %parallel_loop3A_350 : i32
        %parallel_loop3A_352 = arith.cmpi ne, %parallel_loop3A_344, %parallel_loop3A_351 : i32
        %parallel_loop3A_353 = arith.remsi %parallel_loop3A_335, %parallel_loop3A_336 : i32
        %parallel_loop3A_354 = arith.constant 0 : i32
        %parallel_loop3A_355 = arith.cmpi ne, %parallel_loop3A_353, %parallel_loop3A_354 : i32
        %parallel_loop3A_356 = arith.andi %parallel_loop3A_352, %parallel_loop3A_355 : i1
        %parallel_loop3A_357 = arith.constant 1 : i32
        %parallel_loop3A_358 = arith.subi %parallel_loop3A_337, %parallel_loop3A_357 : i32
        %parallel_loop3A_359 = arith.select %parallel_loop3A_356, %parallel_loop3A_358, %parallel_loop3A_337 : i32
        %parallel_loop3A_360 = arith.constant 64 : i32
        %parallel_loop3A_361 = arith.constant 0 : i32
        %parallel_loop3A_362 = arith.cmpi eq, %parallel_loop3A_360, %parallel_loop3A_361 : i32
        %parallel_loop3A_363 = arith.constant 1 : i32
        %parallel_loop3A_364 = arith.select %parallel_loop3A_362, %parallel_loop3A_363, %parallel_loop3A_360 : i32
        %parallel_loop3A_365 = arith.remsi %parallel_loop3A_335, %parallel_loop3A_364 : i32
        %parallel_loop3A_366 = arith.constant 0 : i32
        %parallel_loop3A_367 = arith.cmpi ne, %parallel_loop3A_365, %parallel_loop3A_366 : i32
        %parallel_loop3A_368 = arith.constant 0 : i32
        %parallel_loop3A_369 = arith.cmpi slt, %parallel_loop3A_365, %parallel_loop3A_368 : i32
        %parallel_loop3A_370 = arith.constant 0 : i32
        %parallel_loop3A_371 = arith.cmpi slt, %parallel_loop3A_364, %parallel_loop3A_370 : i32
        %parallel_loop3A_372 = arith.xori %parallel_loop3A_369, %parallel_loop3A_371 : i1
        %parallel_loop3A_373 = arith.andi %parallel_loop3A_372, %parallel_loop3A_367 : i1
        %parallel_loop3A_374 = arith.addi %parallel_loop3A_365, %parallel_loop3A_364 : i32
        %parallel_loop3A_375 = arith.select %parallel_loop3A_373, %parallel_loop3A_374, %parallel_loop3A_365 : i32
        %parallel_loop3A_376 = arith.constant 16 : i32
        %parallel_loop3A_377 = arith.muli %parallel_loop3A_375, %parallel_loop3A_376 : i32
        %parallel_loop3A_378 = arith.index_cast %parallel_loop3A_359 : i32 to index
        %parallel_loop3A_379 = arith.index_cast %parallel_loop3A_377 : i32 to index
        %parallel_loop3A_380 = tpu.vector_load %arg5[%parallel_loop3A_378, %parallel_loop3A_379] {strides = array<i32>} : memref<8x1024xf32, #tpu.memory_space<vmem>>, vector<1x16xf32>,
        %parallel_loop3A_381 = vector.shape_cast %parallel_loop3A_380 : vector<1x16xf32> to vector<16xf32>
        %parallel_loop3A_382 = arith.index_cast %parallel_loop3A_359 : i32 to index
        %parallel_loop3A_383 = arith.index_cast %parallel_loop3A_377 : i32 to index
        %parallel_loop3A_384 = tpu.vector_load %arg7[%parallel_loop3A_382, %parallel_loop3A_383] {strides = array<i32>} : memref<8x1024xf32, #tpu.memory_space<vmem>>, vector<1x16xf32>,
        %parallel_loop3A_385 = vector.shape_cast %parallel_loop3A_384 : vector<1x16xf32> to vector<16xf32>
        %parallel_loop3A_386 = vector.shape_cast %parallel_loop3A_381 : vector<16xf32> to vector<1x16xf32>
        tpu.vector_store %arg7[%parallel_loop3A_382, %parallel_loop3A_383], %parallel_loop3A_386 {add = true, strides = array<i32>} : memref<8x1024xf32, #tpu.memory_space<vmem>>, vector<1x16xf32>,
      } {sc.loop_unroll_factor = 8 : i64, sc.parallel_access}
      %mul3A_146 = arith.constant 8 : i32
      %mul3A_147 = arith.muli %mul3A_122, %mul3A_146 : i32
      %add3A_148 = arith.addi %mul3A_2, %mul3A_147 : i32
      %dma_start3A_149 = arith.constant 0 : i32
      %dma_start3A_150 = arith.constant 0 : i32
      %dma_start3A_151 = tpu.memref_slice %arg4[%dma_start3A_149, %add3A_148, %dma_start3A_150] : memref<4x8192x1024xf32, #tpu.memory_space<hbm>> -> memref<1x8x1024xf32, #tpu.memory_space<hbm>>
      %dma_start3A_152 = tpu.memref_squeeze %dma_start3A_151 : memref<1x8x1024xf32, #tpu.memory_space<hbm>> -> memref<8x1024xf32, #tpu.memory_space<hbm>>
      %dma_start3A_153 = arith.constant 0 : i32
      %dma_start3A_154 = tpu.memref_slice %arg4[%dma_start3A_149, %add3A_148, %dma_start3A_153] : memref<4x8192x1024xf32, #tpu.memory_space<hbm>> -> memref<1x8x1024xf32, #tpu.memory_space<hbm>>
      %dma_start3A_155 = tpu.memref_squeeze %dma_start3A_154 : memref<1x8x1024xf32, #tpu.memory_space<hbm>> -> memref<8x1024xf32, #tpu.memory_space<hbm>>
      tpu.enqueue_dma source(%arg7 : memref<8x1024xf32, #tpu.memory_space<vmem>>) target(%dma_start3A_155 : memref<8x1024xf32, #tpu.memory_space<hbm>>) target_semaphore(%arg25 : memref<!tpu.dma_semaphore, #tpu.memory_space<semaphore_mem>>)
      %mul3A_156 = arith.constant 8 : i32
      %mul3A_157 = arith.muli %mul3A_122, %mul3A_156 : i32
      %add3A_158 = arith.addi %mul3A_2, %mul3A_157 : i32
      %dma_wait3A_159 = arith.constant 1 : i32
      %dma_wait3A_160 = arith.constant 0 : i32
      %dma_wait3A_161 = tpu.memref_slice %arg2[%dma_wait3A_159, %add3A_158, %dma_wait3A_160] : memref<4x8192x1024xf32, #tpu.memory_space<hbm>> -> memref<1x8x1024xf32, #tpu.memory_space<hbm>>
      %dma_wait3A_162 = tpu.memref_squeeze %dma_wait3A_161 : memref<1x8x1024xf32, #tpu.memory_space<hbm>> -> memref<8x1024xf32, #tpu.memory_space<hbm>>
      %dma_wait3A_163 = arith.constant 0 : i32
      %dma_wait3A_164 = tpu.memref_slice %arg2[%dma_wait3A_159, %add3A_158, %dma_wait3A_163] : memref<4x8192x1024xf32, #tpu.memory_space<hbm>> -> memref<1x8x1024xf32, #tpu.memory_space<hbm>>
      %dma_wait3A_165 = tpu.memref_squeeze %dma_wait3A_164 : memref<1x8x1024xf32, #tpu.memory_space<hbm>> -> memref<8x1024xf32, #tpu.memory_space<hbm>>
      tpu.wait_dma2 semaphore(%arg18 : memref<!tpu.dma_semaphore, #tpu.memory_space<semaphore_mem>>) src(%dma_wait3A_165 : memref<8x1024xf32, #tpu.memory_space<hbm>>) dst(%arg8 : memref<8x1024xf32, #tpu.memory_space<vmem>>)
      %parallel_loop3A_166 = arith.constant 0 : i32
      %parallel_loop3A_167 = arith.constant 512 : i32
      %parallel_loop3A_168 = arith.constant 1 : i32
      scf.for %parallel_loop3A_335 = %parallel_loop3A_166 to %parallel_loop3A_167 step %parallel_loop3A_168  : i32 {
        %parallel_loop3A_336 = arith.constant 64 : i32
        %parallel_loop3A_337 = arith.divsi %parallel_loop3A_335, %parallel_loop3A_336 : i32
        %parallel_loop3A_338 = arith.constant 0 : i32
        %parallel_loop3A_339 = arith.cmpi sgt, %parallel_loop3A_335, %parallel_loop3A_338 : i32
        %parallel_loop3A_340 = arith.extui %parallel_loop3A_339 : i1 to i32
        %parallel_loop3A_341 = arith.constant 0 : i32
        %parallel_loop3A_342 = arith.cmpi slt, %parallel_loop3A_335, %parallel_loop3A_341 : i32
        %parallel_loop3A_343 = arith.extui %parallel_loop3A_342 : i1 to i32
        %parallel_loop3A_344 = arith.subi %parallel_loop3A_340, %parallel_loop3A_343 : i32
        %parallel_loop3A_345 = arith.constant 0 : i32
        %parallel_loop3A_346 = arith.cmpi sgt, %parallel_loop3A_336, %parallel_loop3A_345 : i32
        %parallel_loop3A_347 = arith.extui %parallel_loop3A_346 : i1 to i32
        %parallel_loop3A_348 = arith.constant 0 : i32
        %parallel_loop3A_349 = arith.cmpi slt, %parallel_loop3A_336, %parallel_loop3A_348 : i32
        %parallel_loop3A_350 = arith.extui %parallel_loop3A_349 : i1 to i32
        %parallel_loop3A_351 = arith.subi %parallel_loop3A_347, %parallel_loop3A_350 : i32
        %parallel_loop3A_352 = arith.cmpi ne, %parallel_loop3A_344, %parallel_loop3A_351 : i32
        %parallel_loop3A_353 = arith.remsi %parallel_loop3A_335, %parallel_loop3A_336 : i32
        %parallel_loop3A_354 = arith.constant 0 : i32
        %parallel_loop3A_355 = arith.cmpi ne, %parallel_loop3A_353, %parallel_loop3A_354 : i32
        %parallel_loop3A_356 = arith.andi %parallel_loop3A_352, %parallel_loop3A_355 : i1
        %parallel_loop3A_357 = arith.constant 1 : i32
        %parallel_loop3A_358 = arith.subi %parallel_loop3A_337, %parallel_loop3A_357 : i32
        %parallel_loop3A_359 = arith.select %parallel_loop3A_356, %parallel_loop3A_358, %parallel_loop3A_337 : i32
        %parallel_loop3A_360 = arith.constant 64 : i32
        %parallel_loop3A_361 = arith.constant 0 : i32
        %parallel_loop3A_362 = arith.cmpi eq, %parallel_loop3A_360, %parallel_loop3A_361 : i32
        %parallel_loop3A_363 = arith.constant 1 : i32
        %parallel_loop3A_364 = arith.select %parallel_loop3A_362, %parallel_loop3A_363, %parallel_loop3A_360 : i32
        %parallel_loop3A_365 = arith.remsi %parallel_loop3A_335, %parallel_loop3A_364 : i32
        %parallel_loop3A_366 = arith.constant 0 : i32
        %parallel_loop3A_367 = arith.cmpi ne, %parallel_loop3A_365, %parallel_loop3A_366 : i32
        %parallel_loop3A_368 = arith.constant 0 : i32
        %parallel_loop3A_369 = arith.cmpi slt, %parallel_loop3A_365, %parallel_loop3A_368 : i32
        %parallel_loop3A_370 = arith.constant 0 : i32
        %parallel_loop3A_371 = arith.cmpi slt, %parallel_loop3A_364, %parallel_loop3A_370 : i32
        %parallel_loop3A_372 = arith.xori %parallel_loop3A_369, %parallel_loop3A_371 : i1
        %parallel_loop3A_373 = arith.andi %parallel_loop3A_372, %parallel_loop3A_367 : i1
        %parallel_loop3A_374 = arith.addi %parallel_loop3A_365, %parallel_loop3A_364 : i32
        %parallel_loop3A_375 = arith.select %parallel_loop3A_373, %parallel_loop3A_374, %parallel_loop3A_365 : i32
        %parallel_loop3A_376 = arith.constant 16 : i32
        %parallel_loop3A_377 = arith.muli %parallel_loop3A_375, %parallel_loop3A_376 : i32
        %parallel_loop3A_378 = arith.index_cast %parallel_loop3A_359 : i32 to index
        %parallel_loop3A_379 = arith.index_cast %parallel_loop3A_377 : i32 to index
        %parallel_loop3A_380 = tpu.vector_load %arg5[%parallel_loop3A_378, %parallel_loop3A_379] {strides = array<i32>} : memref<8x1024xf32, #tpu.memory_space<vmem>>, vector<1x16xf32>,
        %parallel_loop3A_381 = vector.shape_cast %parallel_loop3A_380 : vector<1x16xf32> to vector<16xf32>
        %parallel_loop3A_382 = arith.index_cast %parallel_loop3A_359 : i32 to index
        %parallel_loop3A_383 = arith.index_cast %parallel_loop3A_377 : i32 to index
        %parallel_loop3A_384 = tpu.vector_load %arg8[%parallel_loop3A_382, %parallel_loop3A_383] {strides = array<i32>} : memref<8x1024xf32, #tpu.memory_space<vmem>>, vector<1x16xf32>,
        %parallel_loop3A_385 = vector.shape_cast %parallel_loop3A_384 : vector<1x16xf32> to vector<16xf32>
        %parallel_loop3A_386 = vector.shape_cast %parallel_loop3A_381 : vector<16xf32> to vector<1x16xf32>
        tpu.vector_store %arg8[%parallel_loop3A_382, %parallel_loop3A_383], %parallel_loop3A_386 {add = true, strides = array<i32>} : memref<8x1024xf32, #tpu.memory_space<vmem>>, vector<1x16xf32>,
      } {sc.loop_unroll_factor = 8 : i64, sc.parallel_access}
      %mul3A_169 = arith.constant 8 : i32
      %mul3A_170 = arith.muli %mul3A_122, %mul3A_169 : i32
      %add3A_171 = arith.addi %mul3A_2, %mul3A_170 : i32
      %dma_start3A_172 = arith.constant 1 : i32
      %dma_start3A_173 = arith.constant 0 : i32
      %dma_start3A_174 = tpu.memref_slice %arg4[%dma_start3A_172, %add3A_171, %dma_start3A_173] : memref<4x8192x1024xf32, #tpu.memory_space<hbm>> -> memref<1x8x1024xf32, #tpu.memory_space<hbm>>
      %dma_start3A_175 = tpu.memref_squeeze %dma_start3A_174 : memref<1x8x1024xf32, #tpu.memory_space<hbm>> -> memref<8x1024xf32, #tpu.memory_space<hbm>>
      %dma_start3A_176 = arith.constant 0 : i32
      %dma_start3A_177 = tpu.memref_slice %arg4[%dma_start3A_172, %add3A_171, %dma_start3A_176] : memref<4x8192x1024xf32, #tpu.memory_space<hbm>> -> memref<1x8x1024xf32, #tpu.memory_space<hbm>>
      %dma_start3A_178 = tpu.memref_squeeze %dma_start3A_177 : memref<1x8x1024xf32, #tpu.memory_space<hbm>> -> memref<8x1024xf32, #tpu.memory_space<hbm>>
      tpu.enqueue_dma source(%arg8 : memref<8x1024xf32, #tpu.memory_space<vmem>>) target(%dma_start3A_178 : memref<8x1024xf32, #tpu.memory_space<hbm>>) target_semaphore(%arg26 : memref<!tpu.dma_semaphore, #tpu.memory_space<semaphore_mem>>)
      %mul3A_179 = arith.constant 8 : i32
      %mul3A_180 = arith.muli %mul3A_122, %mul3A_179 : i32
      %add3A_181 = arith.addi %mul3A_2, %mul3A_180 : i32
      %dma_wait3A_182 = arith.constant 2 : i32
      %dma_wait3A_183 = arith.constant 0 : i32
      %dma_wait3A_184 = tpu.memref_slice %arg2[%dma_wait3A_182, %add3A_181, %dma_wait3A_183] : memref<4x8192x1024xf32, #tpu.memory_space<hbm>> -> memref<1x8x1024xf32, #tpu.memory_space<hbm>>
      %dma_wait3A_185 = tpu.memref_squeeze %dma_wait3A_184 : memref<1x8x1024xf32, #tpu.memory_space<hbm>> -> memref<8x1024xf32, #tpu.memory_space<hbm>>
      %dma_wait3A_186 = arith.constant 0 : i32
      %dma_wait3A_187 = tpu.memref_slice %arg2[%dma_wait3A_182, %add3A_181, %dma_wait3A_186] : memref<4x8192x1024xf32, #tpu.memory_space<hbm>> -> memref<1x8x1024xf32, #tpu.memory_space<hbm>>
      %dma_wait3A_188 = tpu.memref_squeeze %dma_wait3A_187 : memref<1x8x1024xf32, #tpu.memory_space<hbm>> -> memref<8x1024xf32, #tpu.memory_space<hbm>>
      tpu.wait_dma2 semaphore(%arg19 : memref<!tpu.dma_semaphore, #tpu.memory_space<semaphore_mem>>) src(%dma_wait3A_188 : memref<8x1024xf32, #tpu.memory_space<hbm>>) dst(%arg9 : memref<8x1024xf32, #tpu.memory_space<vmem>>)
      %parallel_loop3A_189 = arith.constant 0 : i32
      %parallel_loop3A_190 = arith.constant 512 : i32
      %parallel_loop3A_191 = arith.constant 1 : i32
      scf.for %parallel_loop3A_335 = %parallel_loop3A_189 to %parallel_loop3A_190 step %parallel_loop3A_191  : i32 {
        %parallel_loop3A_336 = arith.constant 64 : i32
        %parallel_loop3A_337 = arith.divsi %parallel_loop3A_335, %parallel_loop3A_336 : i32
        %parallel_loop3A_338 = arith.constant 0 : i32
        %parallel_loop3A_339 = arith.cmpi sgt, %parallel_loop3A_335, %parallel_loop3A_338 : i32
        %parallel_loop3A_340 = arith.extui %parallel_loop3A_339 : i1 to i32
        %parallel_loop3A_341 = arith.constant 0 : i32
        %parallel_loop3A_342 = arith.cmpi slt, %parallel_loop3A_335, %parallel_loop3A_341 : i32
        %parallel_loop3A_343 = arith.extui %parallel_loop3A_342 : i1 to i32
        %parallel_loop3A_344 = arith.subi %parallel_loop3A_340, %parallel_loop3A_343 : i32
        %parallel_loop3A_345 = arith.constant 0 : i32
        %parallel_loop3A_346 = arith.cmpi sgt, %parallel_loop3A_336, %parallel_loop3A_345 : i32
        %parallel_loop3A_347 = arith.extui %parallel_loop3A_346 : i1 to i32
        %parallel_loop3A_348 = arith.constant 0 : i32
        %parallel_loop3A_349 = arith.cmpi slt, %parallel_loop3A_336, %parallel_loop3A_348 : i32
        %parallel_loop3A_350 = arith.extui %parallel_loop3A_349 : i1 to i32
        %parallel_loop3A_351 = arith.subi %parallel_loop3A_347, %parallel_loop3A_350 : i32
        %parallel_loop3A_352 = arith.cmpi ne, %parallel_loop3A_344, %parallel_loop3A_351 : i32
        %parallel_loop3A_353 = arith.remsi %parallel_loop3A_335, %parallel_loop3A_336 : i32
        %parallel_loop3A_354 = arith.constant 0 : i32
        %parallel_loop3A_355 = arith.cmpi ne, %parallel_loop3A_353, %parallel_loop3A_354 : i32
        %parallel_loop3A_356 = arith.andi %parallel_loop3A_352, %parallel_loop3A_355 : i1
        %parallel_loop3A_357 = arith.constant 1 : i32
        %parallel_loop3A_358 = arith.subi %parallel_loop3A_337, %parallel_loop3A_357 : i32
        %parallel_loop3A_359 = arith.select %parallel_loop3A_356, %parallel_loop3A_358, %parallel_loop3A_337 : i32
        %parallel_loop3A_360 = arith.constant 64 : i32
        %parallel_loop3A_361 = arith.constant 0 : i32
        %parallel_loop3A_362 = arith.cmpi eq, %parallel_loop3A_360, %parallel_loop3A_361 : i32
        %parallel_loop3A_363 = arith.constant 1 : i32
        %parallel_loop3A_364 = arith.select %parallel_loop3A_362, %parallel_loop3A_363, %parallel_loop3A_360 : i32
        %parallel_loop3A_365 = arith.remsi %parallel_loop3A_335, %parallel_loop3A_364 : i32
        %parallel_loop3A_366 = arith.constant 0 : i32
        %parallel_loop3A_367 = arith.cmpi ne, %parallel_loop3A_365, %parallel_loop3A_366 : i32
        %parallel_loop3A_368 = arith.constant 0 : i32
        %parallel_loop3A_369 = arith.cmpi slt, %parallel_loop3A_365, %parallel_loop3A_368 : i32
        %parallel_loop3A_370 = arith.constant 0 : i32
        %parallel_loop3A_371 = arith.cmpi slt, %parallel_loop3A_364, %parallel_loop3A_370 : i32
        %parallel_loop3A_372 = arith.xori %parallel_loop3A_369, %parallel_loop3A_371 : i1
        %parallel_loop3A_373 = arith.andi %parallel_loop3A_372, %parallel_loop3A_367 : i1
        %parallel_loop3A_374 = arith.addi %parallel_loop3A_365, %parallel_loop3A_364 : i32
        %parallel_loop3A_375 = arith.select %parallel_loop3A_373, %parallel_loop3A_374, %parallel_loop3A_365 : i32
        %parallel_loop3A_376 = arith.constant 16 : i32
        %parallel_loop3A_377 = arith.muli %parallel_loop3A_375, %parallel_loop3A_376 : i32
        %parallel_loop3A_378 = arith.index_cast %parallel_loop3A_359 : i32 to index
        %parallel_loop3A_379 = arith.index_cast %parallel_loop3A_377 : i32 to index
        %parallel_loop3A_380 = tpu.vector_load %arg5[%parallel_loop3A_378, %parallel_loop3A_379] {strides = array<i32>} : memref<8x1024xf32, #tpu.memory_space<vmem>>, vector<1x16xf32>,
        %parallel_loop3A_381 = vector.shape_cast %parallel_loop3A_380 : vector<1x16xf32> to vector<16xf32>
        %parallel_loop3A_382 = arith.index_cast %parallel_loop3A_359 : i32 to index
        %parallel_loop3A_383 = arith.index_cast %parallel_loop3A_377 : i32 to index
        %parallel_loop3A_384 = tpu.vector_load %arg9[%parallel_loop3A_382, %parallel_loop3A_383] {strides = array<i32>} : memref<8x1024xf32, #tpu.memory_space<vmem>>, vector<1x16xf32>,
        %parallel_loop3A_385 = vector.shape_cast %parallel_loop3A_384 : vector<1x16xf32> to vector<16xf32>
        %parallel_loop3A_386 = vector.shape_cast %parallel_loop3A_381 : vector<16xf32> to vector<1x16xf32>
        tpu.vector_store %arg9[%parallel_loop3A_382, %parallel_loop3A_383], %parallel_loop3A_386 {add = true, strides = array<i32>} : memref<8x1024xf32, #tpu.memory_space<vmem>>, vector<1x16xf32>,
      } {sc.loop_unroll_factor = 8 : i64, sc.parallel_access}
      %mul3A_192 = arith.constant 8 : i32
      %mul3A_193 = arith.muli %mul3A_122, %mul3A_192 : i32
      %add3A_194 = arith.addi %mul3A_2, %mul3A_193 : i32
      %dma_start3A_195 = arith.constant 2 : i32
      %dma_start3A_196 = arith.constant 0 : i32
      %dma_start3A_197 = tpu.memref_slice %arg4[%dma_start3A_195, %add3A_194, %dma_start3A_196] : memref<4x8192x1024xf32, #tpu.memory_space<hbm>> -> memref<1x8x1024xf32, #tpu.memory_space<hbm>>
      %dma_start3A_198 = tpu.memref_squeeze %dma_start3A_197 : memref<1x8x1024xf32, #tpu.memory_space<hbm>> -> memref<8x1024xf32, #tpu.memory_space<hbm>>
      %dma_start3A_199 = arith.constant 0 : i32
      %dma_start3A_200 = tpu.memref_slice %arg4[%dma_start3A_195, %add3A_194, %dma_start3A_199] : memref<4x8192x1024xf32, #tpu.memory_space<hbm>> -> memref<1x8x1024xf32, #tpu.memory_space<hbm>>
      %dma_start3A_201 = tpu.memref_squeeze %dma_start3A_200 : memref<1x8x1024xf32, #tpu.memory_space<hbm>> -> memref<8x1024xf32, #tpu.memory_space<hbm>>
      tpu.enqueue_dma source(%arg9 : memref<8x1024xf32, #tpu.memory_space<vmem>>) target(%dma_start3A_201 : memref<8x1024xf32, #tpu.memory_space<hbm>>) target_semaphore(%arg27 : memref<!tpu.dma_semaphore, #tpu.memory_space<semaphore_mem>>)
      %mul3A_202 = arith.constant 8 : i32
      %mul3A_203 = arith.muli %mul3A_122, %mul3A_202 : i32
      %add3A_204 = arith.addi %mul3A_2, %mul3A_203 : i32
      %dma_wait3A_205 = arith.constant 3 : i32
      %dma_wait3A_206 = arith.constant 0 : i32
      %dma_wait3A_207 = tpu.memref_slice %arg2[%dma_wait3A_205, %add3A_204, %dma_wait3A_206] : memref<4x8192x1024xf32, #tpu.memory_space<hbm>> -> memref<1x8x1024xf32, #tpu.memory_space<hbm>>
      %dma_wait3A_208 = tpu.memref_squeeze %dma_wait3A_207 : memref<1x8x1024xf32, #tpu.memory_space<hbm>> -> memref<8x1024xf32, #tpu.memory_space<hbm>>
      %dma_wait3A_209 = arith.constant 0 : i32
      %dma_wait3A_210 = tpu.memref_slice %arg2[%dma_wait3A_205, %add3A_204, %dma_wait3A_209] : memref<4x8192x1024xf32, #tpu.memory_space<hbm>> -> memref<1x8x1024xf32, #tpu.memory_space<hbm>>
      %dma_wait3A_211 = tpu.memref_squeeze %dma_wait3A_210 : memref<1x8x1024xf32, #tpu.memory_space<hbm>> -> memref<8x1024xf32, #tpu.memory_space<hbm>>
      tpu.wait_dma2 semaphore(%arg20 : memref<!tpu.dma_semaphore, #tpu.memory_space<semaphore_mem>>) src(%dma_wait3A_211 : memref<8x1024xf32, #tpu.memory_space<hbm>>) dst(%arg10 : memref<8x1024xf32, #tpu.memory_space<vmem>>)
      %parallel_loop3A_212 = arith.constant 0 : i32
      %parallel_loop3A_213 = arith.constant 512 : i32
      %parallel_loop3A_214 = arith.constant 1 : i32
      scf.for %parallel_loop3A_335 = %parallel_loop3A_212 to %parallel_loop3A_213 step %parallel_loop3A_214  : i32 {
        %parallel_loop3A_336 = arith.constant 64 : i32
        %parallel_loop3A_337 = arith.divsi %parallel_loop3A_335, %parallel_loop3A_336 : i32
        %parallel_loop3A_338 = arith.constant 0 : i32
        %parallel_loop3A_339 = arith.cmpi sgt, %parallel_loop3A_335, %parallel_loop3A_338 : i32
        %parallel_loop3A_340 = arith.extui %parallel_loop3A_339 : i1 to i32
        %parallel_loop3A_341 = arith.constant 0 : i32
        %parallel_loop3A_342 = arith.cmpi slt, %parallel_loop3A_335, %parallel_loop3A_341 : i32
        %parallel_loop3A_343 = arith.extui %parallel_loop3A_342 : i1 to i32
        %parallel_loop3A_344 = arith.subi %parallel_loop3A_340, %parallel_loop3A_343 : i32
        %parallel_loop3A_345 = arith.constant 0 : i32
        %parallel_loop3A_346 = arith.cmpi sgt, %parallel_loop3A_336, %parallel_loop3A_345 : i32
        %parallel_loop3A_347 = arith.extui %parallel_loop3A_346 : i1 to i32
        %parallel_loop3A_348 = arith.constant 0 : i32
        %parallel_loop3A_349 = arith.cmpi slt, %parallel_loop3A_336, %parallel_loop3A_348 : i32
        %parallel_loop3A_350 = arith.extui %parallel_loop3A_349 : i1 to i32
        %parallel_loop3A_351 = arith.subi %parallel_loop3A_347, %parallel_loop3A_350 : i32
        %parallel_loop3A_352 = arith.cmpi ne, %parallel_loop3A_344, %parallel_loop3A_351 : i32
        %parallel_loop3A_353 = arith.remsi %parallel_loop3A_335, %parallel_loop3A_336 : i32
        %parallel_loop3A_354 = arith.constant 0 : i32
        %parallel_loop3A_355 = arith.cmpi ne, %parallel_loop3A_353, %parallel_loop3A_354 : i32
        %parallel_loop3A_356 = arith.andi %parallel_loop3A_352, %parallel_loop3A_355 : i1
        %parallel_loop3A_357 = arith.constant 1 : i32
        %parallel_loop3A_358 = arith.subi %parallel_loop3A_337, %parallel_loop3A_357 : i32
        %parallel_loop3A_359 = arith.select %parallel_loop3A_356, %parallel_loop3A_358, %parallel_loop3A_337 : i32
        %parallel_loop3A_360 = arith.constant 64 : i32
        %parallel_loop3A_361 = arith.constant 0 : i32
        %parallel_loop3A_362 = arith.cmpi eq, %parallel_loop3A_360, %parallel_loop3A_361 : i32
        %parallel_loop3A_363 = arith.constant 1 : i32
        %parallel_loop3A_364 = arith.select %parallel_loop3A_362, %parallel_loop3A_363, %parallel_loop3A_360 : i32
        %parallel_loop3A_365 = arith.remsi %parallel_loop3A_335, %parallel_loop3A_364 : i32
        %parallel_loop3A_366 = arith.constant 0 : i32
        %parallel_loop3A_367 = arith.cmpi ne, %parallel_loop3A_365, %parallel_loop3A_366 : i32
        %parallel_loop3A_368 = arith.constant 0 : i32
        %parallel_loop3A_369 = arith.cmpi slt, %parallel_loop3A_365, %parallel_loop3A_368 : i32
        %parallel_loop3A_370 = arith.constant 0 : i32
        %parallel_loop3A_371 = arith.cmpi slt, %parallel_loop3A_364, %parallel_loop3A_370 : i32
        %parallel_loop3A_372 = arith.xori %parallel_loop3A_369, %parallel_loop3A_371 : i1
        %parallel_loop3A_373 = arith.andi %parallel_loop3A_372, %parallel_loop3A_367 : i1
        %parallel_loop3A_374 = arith.addi %parallel_loop3A_365, %parallel_loop3A_364 : i32
        %parallel_loop3A_375 = arith.select %parallel_loop3A_373, %parallel_loop3A_374, %parallel_loop3A_365 : i32
        %parallel_loop3A_376 = arith.constant 16 : i32
        %parallel_loop3A_377 = arith.muli %parallel_loop3A_375, %parallel_loop3A_376 : i32
        %parallel_loop3A_378 = arith.index_cast %parallel_loop3A_359 : i32 to index
        %parallel_loop3A_379 = arith.index_cast %parallel_loop3A_377 : i32 to index
        %parallel_loop3A_380 = tpu.vector_load %arg5[%parallel_loop3A_378, %parallel_loop3A_379] {strides = array<i32>} : memref<8x1024xf32, #tpu.memory_space<vmem>>, vector<1x16xf32>,
        %parallel_loop3A_381 = vector.shape_cast %parallel_loop3A_380 : vector<1x16xf32> to vector<16xf32>
        %parallel_loop3A_382 = arith.index_cast %parallel_loop3A_359 : i32 to index
        %parallel_loop3A_383 = arith.index_cast %parallel_loop3A_377 : i32 to index
        %parallel_loop3A_384 = tpu.vector_load %arg10[%parallel_loop3A_382, %parallel_loop3A_383] {strides = array<i32>} : memref<8x1024xf32, #tpu.memory_space<vmem>>, vector<1x16xf32>,
        %parallel_loop3A_385 = vector.shape_cast %parallel_loop3A_384 : vector<1x16xf32> to vector<16xf32>
        %parallel_loop3A_386 = vector.shape_cast %parallel_loop3A_381 : vector<16xf32> to vector<1x16xf32>
        tpu.vector_store %arg10[%parallel_loop3A_382, %parallel_loop3A_383], %parallel_loop3A_386 {add = true, strides = array<i32>} : memref<8x1024xf32, #tpu.memory_space<vmem>>, vector<1x16xf32>,
      } {sc.loop_unroll_factor = 8 : i64, sc.parallel_access}
      %mul3A_215 = arith.constant 8 : i32
      %mul3A_216 = arith.muli %mul3A_122, %mul3A_215 : i32
      %add3A_217 = arith.addi %mul3A_2, %mul3A_216 : i32
      %dma_start3A_218 = arith.constant 3 : i32
      %dma_start3A_219 = arith.constant 0 : i32
      %dma_start3A_220 = tpu.memref_slice %arg4[%dma_start3A_218, %add3A_217, %dma_start3A_219] : memref<4x8192x1024xf32, #tpu.memory_space<hbm>> -> memref<1x8x1024xf32, #tpu.memory_space<hbm>>
      %dma_start3A_221 = tpu.memref_squeeze %dma_start3A_220 : memref<1x8x1024xf32, #tpu.memory_space<hbm>> -> memref<8x1024xf32, #tpu.memory_space<hbm>>
      %dma_start3A_222 = arith.constant 0 : i32
      %dma_start3A_223 = tpu.memref_slice %arg4[%dma_start3A_218, %add3A_217, %dma_start3A_222] : memref<4x8192x1024xf32, #tpu.memory_space<hbm>> -> memref<1x8x1024xf32, #tpu.memory_space<hbm>>
      %dma_start3A_224 = tpu.memref_squeeze %dma_start3A_223 : memref<1x8x1024xf32, #tpu.memory_space<hbm>> -> memref<8x1024xf32, #tpu.memory_space<hbm>>
      tpu.enqueue_dma source(%arg10 : memref<8x1024xf32, #tpu.memory_space<vmem>>) target(%dma_start3A_224 : memref<8x1024xf32, #tpu.memory_space<hbm>>) target_semaphore(%arg28 : memref<!tpu.dma_semaphore, #tpu.memory_space<semaphore_mem>>)
      %mul3A_225 = arith.constant 2 : i32
      %mul3A_226 = arith.muli %mul3A_225, %scan3A_120 : i32
      %add3A_227 = arith.constant 1 : i32
      %add3A_228 = arith.addi %mul3A_226, %add3A_227 : i32
      %add3A_229 = arith.constant 1 : i32
      %add3A_230 = arith.addi %add3A_228, %add3A_229 : i32
      %lt3A_231 = arith.constant 32 : i32
      %lt3A_232 = arith.cmpi slt, %add3A_230, %lt3A_231 : i32
      %convert_element_type3A_233 = arith.extui %lt3A_232 : i1 to i32
      %cond3A_234 = arith.constant 0 : i32
      %cond3A_235 = arith.cmpi ne, %convert_element_type3A_233, %cond3A_234 : i32
      scf.if %cond3A_235 {
        %add3A_335 = arith.constant 1 : i32
        %add3A_336 = arith.addi %add3A_228, %add3A_335 : i32
        %mul3A_337 = arith.constant 8 : i32
        %mul3A_338 = arith.muli %add3A_336, %mul3A_337 : i32
        %add3A_339 = arith.addi %mul3A_2, %mul3A_338 : i32
        %dma_start3A_340 = arith.constant 0 : i32
        %dma_start3A_341 = tpu.memref_slice %arg3[%add3A_339, %dma_start3A_340] : memref<8192x1024xf32, #tpu.memory_space<hbm>> -> memref<8x1024xf32, #tpu.memory_space<hbm>>
        %dma_start3A_342 = arith.constant 0 : i32
        %dma_start3A_343 = tpu.memref_slice %arg3[%add3A_339, %dma_start3A_342] : memref<8192x1024xf32, #tpu.memory_space<hbm>> -> memref<8x1024xf32, #tpu.memory_space<hbm>>
        tpu.enqueue_dma source(%dma_start3A_343 : memref<8x1024xf32, #tpu.memory_space<hbm>>) target(%arg5 : memref<8x1024xf32, #tpu.memory_space<vmem>>) target_semaphore(%arg15 : memref<!tpu.dma_semaphore, #tpu.memory_space<semaphore_mem>>)
        %ge3A = arith.constant 1 : i32
        %ge3A_344 = arith.cmpi sge, %add3A_228, %ge3A : i32
        %convert_element_type3A_345 = arith.extui %ge3A_344 : i1 to i32
        %cond3A_346 = arith.constant 0 : i32
        %cond3A_347 = arith.cmpi ne, %convert_element_type3A_345, %cond3A_346 : i32
        scf.if %cond3A_347 {
          %sub3A = arith.constant 1 : i32
          %sub3A_411 = arith.subi %add3A_228, %sub3A : i32
          %mul3A_412 = arith.constant 8 : i32
          %mul3A_413 = arith.muli %sub3A_411, %mul3A_412 : i32
          %add3A_414 = arith.addi %mul3A_2, %mul3A_413 : i32
          %dma_wait3A_415 = arith.constant 0 : i32
          %dma_wait3A_416 = arith.constant 0 : i32
          %dma_wait3A_417 = tpu.memref_slice %arg4[%dma_wait3A_415, %add3A_414, %dma_wait3A_416] : memref<4x8192x1024xf32, #tpu.memory_space<hbm>> -> memref<1x8x1024xf32, #tpu.memory_space<hbm>>
          %dma_wait3A_418 = tpu.memref_squeeze %dma_wait3A_417 : memref<1x8x1024xf32, #tpu.memory_space<hbm>> -> memref<8x1024xf32, #tpu.memory_space<hbm>>
          %dma_wait3A_419 = arith.constant 0 : i32
          %dma_wait3A_420 = tpu.memref_slice %arg4[%dma_wait3A_415, %add3A_414, %dma_wait3A_419] : memref<4x8192x1024xf32, #tpu.memory_space<hbm>> -> memref<1x8x1024xf32, #tpu.memory_space<hbm>>
          %dma_wait3A_421 = tpu.memref_squeeze %dma_wait3A_420 : memref<1x8x1024xf32, #tpu.memory_space<hbm>> -> memref<8x1024xf32, #tpu.memory_space<hbm>>
          tpu.wait_dma2 semaphore(%arg25 : memref<!tpu.dma_semaphore, #tpu.memory_space<semaphore_mem>>) src(%arg7 : memref<8x1024xf32, #tpu.memory_space<vmem>>) dst(%dma_wait3A_421 : memref<8x1024xf32, #tpu.memory_space<hbm>>)
        } else {
        }
        %add3A_348 = arith.constant 1 : i32
        %add3A_349 = arith.addi %add3A_228, %add3A_348 : i32
        %mul3A_350 = arith.constant 8 : i32
        %mul3A_351 = arith.muli %add3A_349, %mul3A_350 : i32
        %add3A_352 = arith.addi %mul3A_2, %mul3A_351 : i32
        %dma_start3A_353 = arith.constant 0 : i32
        %dma_start3A_354 = arith.constant 0 : i32
        %dma_start3A_355 = tpu.memref_slice %arg2[%dma_start3A_353, %add3A_352, %dma_start3A_354] : memref<4x8192x1024xf32, #tpu.memory_space<hbm>> -> memref<1x8x1024xf32, #tpu.memory_space<hbm>>
        %dma_start3A_356 = tpu.memref_squeeze %dma_start3A_355 : memref<1x8x1024xf32, #tpu.memory_space<hbm>> -> memref<8x1024xf32, #tpu.memory_space<hbm>>
        %dma_start3A_357 = arith.constant 0 : i32
        %dma_start3A_358 = tpu.memref_slice %arg2[%dma_start3A_353, %add3A_352, %dma_start3A_357] : memref<4x8192x1024xf32, #tpu.memory_space<hbm>> -> memref<1x8x1024xf32, #tpu.memory_space<hbm>>
        %dma_start3A_359 = tpu.memref_squeeze %dma_start3A_358 : memref<1x8x1024xf32, #tpu.memory_space<hbm>> -> memref<8x1024xf32, #tpu.memory_space<hbm>>
        tpu.enqueue_dma source(%dma_start3A_359 : memref<8x1024xf32, #tpu.memory_space<hbm>>) target(%arg7 : memref<8x1024xf32, #tpu.memory_space<vmem>>) target_semaphore(%arg17 : memref<!tpu.dma_semaphore, #tpu.memory_space<semaphore_mem>>)
        %ge3A_360 = arith.constant 1 : i32
        %ge3A_361 = arith.cmpi sge, %add3A_228, %ge3A_360 : i32
        %convert_element_type3A_362 = arith.extui %ge3A_361 : i1 to i32
        %cond3A_363 = arith.constant 0 : i32
        %cond3A_364 = arith.cmpi ne, %convert_element_type3A_362, %cond3A_363 : i32
        scf.if %cond3A_364 {
          %sub3A = arith.constant 1 : i32
          %sub3A_411 = arith.subi %add3A_228, %sub3A : i32
          %mul3A_412 = arith.constant 8 : i32
          %mul3A_413 = arith.muli %sub3A_411, %mul3A_412 : i32
          %add3A_414 = arith.addi %mul3A_2, %mul3A_413 : i32
          %dma_wait3A_415 = arith.constant 1 : i32
          %dma_wait3A_416 = arith.constant 0 : i32
          %dma_wait3A_417 = tpu.memref_slice %arg4[%dma_wait3A_415, %add3A_414, %dma_wait3A_416] : memref<4x8192x1024xf32, #tpu.memory_space<hbm>> -> memref<1x8x1024xf32, #tpu.memory_space<hbm>>
          %dma_wait3A_418 = tpu.memref_squeeze %dma_wait3A_417 : memref<1x8x1024xf32, #tpu.memory_space<hbm>> -> memref<8x1024xf32, #tpu.memory_space<hbm>>
          %dma_wait3A_419 = arith.constant 0 : i32
          %dma_wait3A_420 = tpu.memref_slice %arg4[%dma_wait3A_415, %add3A_414, %dma_wait3A_419] : memref<4x8192x1024xf32, #tpu.memory_space<hbm>> -> memref<1x8x1024xf32, #tpu.memory_space<hbm>>
          %dma_wait3A_421 = tpu.memref_squeeze %dma_wait3A_420 : memref<1x8x1024xf32, #tpu.memory_space<hbm>> -> memref<8x1024xf32, #tpu.memory_space<hbm>>
          tpu.wait_dma2 semaphore(%arg26 : memref<!tpu.dma_semaphore, #tpu.memory_space<semaphore_mem>>) src(%arg8 : memref<8x1024xf32, #tpu.memory_space<vmem>>) dst(%dma_wait3A_421 : memref<8x1024xf32, #tpu.memory_space<hbm>>)
        } else {
        }
        %add3A_365 = arith.constant 1 : i32
        %add3A_366 = arith.addi %add3A_228, %add3A_365 : i32
        %mul3A_367 = arith.constant 8 : i32
        %mul3A_368 = arith.muli %add3A_366, %mul3A_367 : i32
        %add3A_369 = arith.addi %mul3A_2, %mul3A_368 : i32
        %dma_start3A_370 = arith.constant 1 : i32
        %dma_start3A_371 = arith.constant 0 : i32
        %dma_start3A_372 = tpu.memref_slice %arg2[%dma_start3A_370, %add3A_369, %dma_start3A_371] : memref<4x8192x1024xf32, #tpu.memory_space<hbm>> -> memref<1x8x1024xf32, #tpu.memory_space<hbm>>
        %dma_start3A_373 = tpu.memref_squeeze %dma_start3A_372 : memref<1x8x1024xf32, #tpu.memory_space<hbm>> -> memref<8x1024xf32, #tpu.memory_space<hbm>>
        %dma_start3A_374 = arith.constant 0 : i32
        %dma_start3A_375 = tpu.memref_slice %arg2[%dma_start3A_370, %add3A_369, %dma_start3A_374] : memref<4x8192x1024xf32, #tpu.memory_space<hbm>> -> memref<1x8x1024xf32, #tpu.memory_space<hbm>>
        %dma_start3A_376 = tpu.memref_squeeze %dma_start3A_375 : memref<1x8x1024xf32, #tpu.memory_space<hbm>> -> memref<8x1024xf32, #tpu.memory_space<hbm>>
        tpu.enqueue_dma source(%dma_start3A_376 : memref<8x1024xf32, #tpu.memory_space<hbm>>) target(%arg8 : memref<8x1024xf32, #tpu.memory_space<vmem>>) target_semaphore(%arg18 : memref<!tpu.dma_semaphore, #tpu.memory_space<semaphore_mem>>)
        %ge3A_377 = arith.constant 1 : i32
        %ge3A_378 = arith.cmpi sge, %add3A_228, %ge3A_377 : i32
        %convert_element_type3A_379 = arith.extui %ge3A_378 : i1 to i32
        %cond3A_380 = arith.constant 0 : i32
        %cond3A_381 = arith.cmpi ne, %convert_element_type3A_379, %cond3A_380 : i32
        scf.if %cond3A_381 {
          %sub3A = arith.constant 1 : i32
          %sub3A_411 = arith.subi %add3A_228, %sub3A : i32
          %mul3A_412 = arith.constant 8 : i32
          %mul3A_413 = arith.muli %sub3A_411, %mul3A_412 : i32
          %add3A_414 = arith.addi %mul3A_2, %mul3A_413 : i32
          %dma_wait3A_415 = arith.constant 2 : i32
          %dma_wait3A_416 = arith.constant 0 : i32
          %dma_wait3A_417 = tpu.memref_slice %arg4[%dma_wait3A_415, %add3A_414, %dma_wait3A_416] : memref<4x8192x1024xf32, #tpu.memory_space<hbm>> -> memref<1x8x1024xf32, #tpu.memory_space<hbm>>
          %dma_wait3A_418 = tpu.memref_squeeze %dma_wait3A_417 : memref<1x8x1024xf32, #tpu.memory_space<hbm>> -> memref<8x1024xf32, #tpu.memory_space<hbm>>
          %dma_wait3A_419 = arith.constant 0 : i32
          %dma_wait3A_420 = tpu.memref_slice %arg4[%dma_wait3A_415, %add3A_414, %dma_wait3A_419] : memref<4x8192x1024xf32, #tpu.memory_space<hbm>> -> memref<1x8x1024xf32, #tpu.memory_space<hbm>>
          %dma_wait3A_421 = tpu.memref_squeeze %dma_wait3A_420 : memref<1x8x1024xf32, #tpu.memory_space<hbm>> -> memref<8x1024xf32, #tpu.memory_space<hbm>>
          tpu.wait_dma2 semaphore(%arg27 : memref<!tpu.dma_semaphore, #tpu.memory_space<semaphore_mem>>) src(%arg9 : memref<8x1024xf32, #tpu.memory_space<vmem>>) dst(%dma_wait3A_421 : memref<8x1024xf32, #tpu.memory_space<hbm>>)
        } else {
        }
        %add3A_382 = arith.constant 1 : i32
        %add3A_383 = arith.addi %add3A_228, %add3A_382 : i32
        %mul3A_384 = arith.constant 8 : i32
        %mul3A_385 = arith.muli %add3A_383, %mul3A_384 : i32
        %add3A_386 = arith.addi %mul3A_2, %mul3A_385 : i32
        %dma_start3A_387 = arith.constant 2 : i32
        %dma_start3A_388 = arith.constant 0 : i32
        %dma_start3A_389 = tpu.memref_slice %arg2[%dma_start3A_387, %add3A_386, %dma_start3A_388] : memref<4x8192x1024xf32, #tpu.memory_space<hbm>> -> memref<1x8x1024xf32, #tpu.memory_space<hbm>>
        %dma_start3A_390 = tpu.memref_squeeze %dma_start3A_389 : memref<1x8x1024xf32, #tpu.memory_space<hbm>> -> memref<8x1024xf32, #tpu.memory_space<hbm>>
        %dma_start3A_391 = arith.constant 0 : i32
        %dma_start3A_392 = tpu.memref_slice %arg2[%dma_start3A_387, %add3A_386, %dma_start3A_391] : memref<4x8192x1024xf32, #tpu.memory_space<hbm>> -> memref<1x8x1024xf32, #tpu.memory_space<hbm>>
        %dma_start3A_393 = tpu.memref_squeeze %dma_start3A_392 : memref<1x8x1024xf32, #tpu.memory_space<hbm>> -> memref<8x1024xf32, #tpu.memory_space<hbm>>
        tpu.enqueue_dma source(%dma_start3A_393 : memref<8x1024xf32, #tpu.memory_space<hbm>>) target(%arg9 : memref<8x1024xf32, #tpu.memory_space<vmem>>) target_semaphore(%arg19 : memref<!tpu.dma_semaphore, #tpu.memory_space<semaphore_mem>>)
        %ge3A_394 = arith.constant 1 : i32
        %ge3A_395 = arith.cmpi sge, %add3A_228, %ge3A_394 : i32
        %convert_element_type3A_396 = arith.extui %ge3A_395 : i1 to i32
        %cond3A_397 = arith.constant 0 : i32
        %cond3A_398 = arith.cmpi ne, %convert_element_type3A_396, %cond3A_397 : i32
        scf.if %cond3A_398 {
          %sub3A = arith.constant 1 : i32
          %sub3A_411 = arith.subi %add3A_228, %sub3A : i32
          %mul3A_412 = arith.constant 8 : i32
          %mul3A_413 = arith.muli %sub3A_411, %mul3A_412 : i32
          %add3A_414 = arith.addi %mul3A_2, %mul3A_413 : i32
          %dma_wait3A_415 = arith.constant 3 : i32
          %dma_wait3A_416 = arith.constant 0 : i32
          %dma_wait3A_417 = tpu.memref_slice %arg4[%dma_wait3A_415, %add3A_414, %dma_wait3A_416] : memref<4x8192x1024xf32, #tpu.memory_space<hbm>> -> memref<1x8x1024xf32, #tpu.memory_space<hbm>>
          %dma_wait3A_418 = tpu.memref_squeeze %dma_wait3A_417 : memref<1x8x1024xf32, #tpu.memory_space<hbm>> -> memref<8x1024xf32, #tpu.memory_space<hbm>>
          %dma_wait3A_419 = arith.constant 0 : i32
          %dma_wait3A_420 = tpu.memref_slice %arg4[%dma_wait3A_415, %add3A_414, %dma_wait3A_419] : memref<4x8192x1024xf32, #tpu.memory_space<hbm>> -> memref<1x8x1024xf32, #tpu.memory_space<hbm>>
          %dma_wait3A_421 = tpu.memref_squeeze %dma_wait3A_420 : memref<1x8x1024xf32, #tpu.memory_space<hbm>> -> memref<8x1024xf32, #tpu.memory_space<hbm>>
          tpu.wait_dma2 semaphore(%arg28 : memref<!tpu.dma_semaphore, #tpu.memory_space<semaphore_mem>>) src(%arg10 : memref<8x1024xf32, #tpu.memory_space<vmem>>) dst(%dma_wait3A_421 : memref<8x1024xf32, #tpu.memory_space<hbm>>)
        } else {
        }
        %add3A_399 = arith.constant 1 : i32
        %add3A_400 = arith.addi %add3A_228, %add3A_399 : i32
        %mul3A_401 = arith.constant 8 : i32
        %mul3A_402 = arith.muli %add3A_400, %mul3A_401 : i32
        %add3A_403 = arith.addi %mul3A_2, %mul3A_402 : i32
        %dma_start3A_404 = arith.constant 3 : i32
        %dma_start3A_405 = arith.constant 0 : i32
        %dma_start3A_406 = tpu.memref_slice %arg2[%dma_start3A_404, %add3A_403, %dma_start3A_405] : memref<4x8192x1024xf32, #tpu.memory_space<hbm>> -> memref<1x8x1024xf32, #tpu.memory_space<hbm>>
        %dma_start3A_407 = tpu.memref_squeeze %dma_start3A_406 : memref<1x8x1024xf32, #tpu.memory_space<hbm>> -> memref<8x1024xf32, #tpu.memory_space<hbm>>
        %dma_start3A_408 = arith.constant 0 : i32
        %dma_start3A_409 = tpu.memref_slice %arg2[%dma_start3A_404, %add3A_403, %dma_start3A_408] : memref<4x8192x1024xf32, #tpu.memory_space<hbm>> -> memref<1x8x1024xf32, #tpu.memory_space<hbm>>
        %dma_start3A_410 = tpu.memref_squeeze %dma_start3A_409 : memref<1x8x1024xf32, #tpu.memory_space<hbm>> -> memref<8x1024xf32, #tpu.memory_space<hbm>>
        tpu.enqueue_dma source(%dma_start3A_410 : memref<8x1024xf32, #tpu.memory_space<hbm>>) target(%arg10 : memref<8x1024xf32, #tpu.memory_space<vmem>>) target_semaphore(%arg20 : memref<!tpu.dma_semaphore, #tpu.memory_space<semaphore_mem>>)
      } else {
      }
      %mul3A_236 = arith.constant 8 : i32
      %mul3A_237 = arith.muli %add3A_228, %mul3A_236 : i32
      %add3A_238 = arith.addi %mul3A_2, %mul3A_237 : i32
      %dma_wait3A_239 = arith.constant 0 : i32
      %dma_wait3A_240 = tpu.memref_slice %arg3[%add3A_238, %dma_wait3A_239] : memref<8192x1024xf32, #tpu.memory_space<hbm>> -> memref<8x1024xf32, #tpu.memory_space<hbm>>
      %dma_wait3A_241 = arith.constant 0 : i32
      %dma_wait3A_242 = tpu.memref_slice %arg3[%add3A_238, %dma_wait3A_241] : memref<8192x1024xf32, #tpu.memory_space<hbm>> -> memref<8x1024xf32, #tpu.memory_space<hbm>>
      tpu.wait_dma2 semaphore(%arg16 : memref<!tpu.dma_semaphore, #tpu.memory_space<semaphore_mem>>) src(%dma_wait3A_242 : memref<8x1024xf32, #tpu.memory_space<hbm>>) dst(%arg6 : memref<8x1024xf32, #tpu.memory_space<vmem>>)
      %mul3A_243 = arith.constant 8 : i32
      %mul3A_244 = arith.muli %add3A_228, %mul3A_243 : i32
      %add3A_245 = arith.addi %mul3A_2, %mul3A_244 : i32
      %dma_wait3A_246 = arith.constant 0 : i32
      %dma_wait3A_247 = arith.constant 0 : i32
      %dma_wait3A_248 = tpu.memref_slice %arg2[%dma_wait3A_246, %add3A_245, %dma_wait3A_247] : memref<4x8192x1024xf32, #tpu.memory_space<hbm>> -> memref<1x8x1024xf32, #tpu.memory_space<hbm>>
      %dma_wait3A_249 = tpu.memref_squeeze %dma_wait3A_248 : memref<1x8x1024xf32, #tpu.memory_space<hbm>> -> memref<8x1024xf32, #tpu.memory_space<hbm>>
      %dma_wait3A_250 = arith.constant 0 : i32
      %dma_wait3A_251 = tpu.memref_slice %arg2[%dma_wait3A_246, %add3A_245, %dma_wait3A_250] : memref<4x8192x1024xf32, #tpu.memory_space<hbm>> -> memref<1x8x1024xf32, #tpu.memory_space<hbm>>
      %dma_wait3A_252 = tpu.memref_squeeze %dma_wait3A_251 : memref<1x8x1024xf32, #tpu.memory_space<hbm>> -> memref<8x1024xf32, #tpu.memory_space<hbm>>
      tpu.wait_dma2 semaphore(%arg21 : memref<!tpu.dma_semaphore, #tpu.memory_space<semaphore_mem>>) src(%dma_wait3A_252 : memref<8x1024xf32, #tpu.memory_space<hbm>>) dst(%arg11 : memref<8x1024xf32, #tpu.memory_space<vmem>>)
      %parallel_loop3A_253 = arith.constant 0 : i32
      %parallel_loop3A_254 = arith.constant 512 : i32
      %parallel_loop3A_255 = arith.constant 1 : i32
      scf.for %parallel_loop3A_335 = %parallel_loop3A_253 to %parallel_loop3A_254 step %parallel_loop3A_255  : i32 {
        %parallel_loop3A_336 = arith.constant 64 : i32
        %parallel_loop3A_337 = arith.divsi %parallel_loop3A_335, %parallel_loop3A_336 : i32
        %parallel_loop3A_338 = arith.constant 0 : i32
        %parallel_loop3A_339 = arith.cmpi sgt, %parallel_loop3A_335, %parallel_loop3A_338 : i32
        %parallel_loop3A_340 = arith.extui %parallel_loop3A_339 : i1 to i32
        %parallel_loop3A_341 = arith.constant 0 : i32
        %parallel_loop3A_342 = arith.cmpi slt, %parallel_loop3A_335, %parallel_loop3A_341 : i32
        %parallel_loop3A_343 = arith.extui %parallel_loop3A_342 : i1 to i32
        %parallel_loop3A_344 = arith.subi %parallel_loop3A_340, %parallel_loop3A_343 : i32
        %parallel_loop3A_345 = arith.constant 0 : i32
        %parallel_loop3A_346 = arith.cmpi sgt, %parallel_loop3A_336, %parallel_loop3A_345 : i32
        %parallel_loop3A_347 = arith.extui %parallel_loop3A_346 : i1 to i32
        %parallel_loop3A_348 = arith.constant 0 : i32
        %parallel_loop3A_349 = arith.cmpi slt, %parallel_loop3A_336, %parallel_loop3A_348 : i32
        %parallel_loop3A_350 = arith.extui %parallel_loop3A_349 : i1 to i32
        %parallel_loop3A_351 = arith.subi %parallel_loop3A_347, %parallel_loop3A_350 : i32
        %parallel_loop3A_352 = arith.cmpi ne, %parallel_loop3A_344, %parallel_loop3A_351 : i32
        %parallel_loop3A_353 = arith.remsi %parallel_loop3A_335, %parallel_loop3A_336 : i32
        %parallel_loop3A_354 = arith.constant 0 : i32
        %parallel_loop3A_355 = arith.cmpi ne, %parallel_loop3A_353, %parallel_loop3A_354 : i32
        %parallel_loop3A_356 = arith.andi %parallel_loop3A_352, %parallel_loop3A_355 : i1
        %parallel_loop3A_357 = arith.constant 1 : i32
        %parallel_loop3A_358 = arith.subi %parallel_loop3A_337, %parallel_loop3A_357 : i32
        %parallel_loop3A_359 = arith.select %parallel_loop3A_356, %parallel_loop3A_358, %parallel_loop3A_337 : i32
        %parallel_loop3A_360 = arith.constant 64 : i32
        %parallel_loop3A_361 = arith.constant 0 : i32
        %parallel_loop3A_362 = arith.cmpi eq, %parallel_loop3A_360, %parallel_loop3A_361 : i32
        %parallel_loop3A_363 = arith.constant 1 : i32
        %parallel_loop3A_364 = arith.select %parallel_loop3A_362, %parallel_loop3A_363, %parallel_loop3A_360 : i32
        %parallel_loop3A_365 = arith.remsi %parallel_loop3A_335, %parallel_loop3A_364 : i32
        %parallel_loop3A_366 = arith.constant 0 : i32
        %parallel_loop3A_367 = arith.cmpi ne, %parallel_loop3A_365, %parallel_loop3A_366 : i32
        %parallel_loop3A_368 = arith.constant 0 : i32
        %parallel_loop3A_369 = arith.cmpi slt, %parallel_loop3A_365, %parallel_loop3A_368 : i32
        %parallel_loop3A_370 = arith.constant 0 : i32
        %parallel_loop3A_371 = arith.cmpi slt, %parallel_loop3A_364, %parallel_loop3A_370 : i32
        %parallel_loop3A_372 = arith.xori %parallel_loop3A_369, %parallel_loop3A_371 : i1
        %parallel_loop3A_373 = arith.andi %parallel_loop3A_372, %parallel_loop3A_367 : i1
        %parallel_loop3A_374 = arith.addi %parallel_loop3A_365, %parallel_loop3A_364 : i32
        %parallel_loop3A_375 = arith.select %parallel_loop3A_373, %parallel_loop3A_374, %parallel_loop3A_365 : i32
        %parallel_loop3A_376 = arith.constant 16 : i32
        %parallel_loop3A_377 = arith.muli %parallel_loop3A_375, %parallel_loop3A_376 : i32
        %parallel_loop3A_378 = arith.index_cast %parallel_loop3A_359 : i32 to index
        %parallel_loop3A_379 = arith.index_cast %parallel_loop3A_377 : i32 to index
        %parallel_loop3A_380 = tpu.vector_load %arg6[%parallel_loop3A_378, %parallel_loop3A_379] {strides = array<i32>} : memref<8x1024xf32, #tpu.memory_space<vmem>>, vector<1x16xf32>,
        %parallel_loop3A_381 = vector.shape_cast %parallel_loop3A_380 : vector<1x16xf32> to vector<16xf32>
        %parallel_loop3A_382 = arith.index_cast %parallel_loop3A_359 : i32 to index
        %parallel_loop3A_383 = arith.index_cast %parallel_loop3A_377 : i32 to index
        %parallel_loop3A_384 = tpu.vector_load %arg11[%parallel_loop3A_382, %parallel_loop3A_383] {strides = array<i32>} : memref<8x1024xf32, #tpu.memory_space<vmem>>, vector<1x16xf32>,
        %parallel_loop3A_385 = vector.shape_cast %parallel_loop3A_384 : vector<1x16xf32> to vector<16xf32>
        %parallel_loop3A_386 = vector.shape_cast %parallel_loop3A_381 : vector<16xf32> to vector<1x16xf32>
        tpu.vector_store %arg11[%parallel_loop3A_382, %parallel_loop3A_383], %parallel_loop3A_386 {add = true, strides = array<i32>} : memref<8x1024xf32, #tpu.memory_space<vmem>>, vector<1x16xf32>,
      } {sc.loop_unroll_factor = 8 : i64, sc.parallel_access}
      %mul3A_256 = arith.constant 8 : i32
      %mul3A_257 = arith.muli %add3A_228, %mul3A_256 : i32
      %add3A_258 = arith.addi %mul3A_2, %mul3A_257 : i32
      %dma_start3A_259 = arith.constant 0 : i32
      %dma_start3A_260 = arith.constant 0 : i32
      %dma_start3A_261 = tpu.memref_slice %arg4[%dma_start3A_259, %add3A_258, %dma_start3A_260] : memref<4x8192x1024xf32, #tpu.memory_space<hbm>> -> memref<1x8x1024xf32, #tpu.memory_space<hbm>>
      %dma_start3A_262 = tpu.memref_squeeze %dma_start3A_261 : memref<1x8x1024xf32, #tpu.memory_space<hbm>> -> memref<8x1024xf32, #tpu.memory_space<hbm>>
      %dma_start3A_263 = arith.constant 0 : i32
      %dma_start3A_264 = tpu.memref_slice %arg4[%dma_start3A_259, %add3A_258, %dma_start3A_263] : memref<4x8192x1024xf32, #tpu.memory_space<hbm>> -> memref<1x8x1024xf32, #tpu.memory_space<hbm>>
      %dma_start3A_265 = tpu.memref_squeeze %dma_start3A_264 : memref<1x8x1024xf32, #tpu.memory_space<hbm>> -> memref<8x1024xf32, #tpu.memory_space<hbm>>
      tpu.enqueue_dma source(%arg11 : memref<8x1024xf32, #tpu.memory_space<vmem>>) target(%dma_start3A_265 : memref<8x1024xf32, #tpu.memory_space<hbm>>) target_semaphore(%arg29 : memref<!tpu.dma_semaphore, #tpu.memory_space<semaphore_mem>>)
      %mul3A_266 = arith.constant 8 : i32
      %mul3A_267 = arith.muli %add3A_228, %mul3A_266 : i32
      %add3A_268 = arith.addi %mul3A_2, %mul3A_267 : i32
      %dma_wait3A_269 = arith.constant 1 : i32
      %dma_wait3A_270 = arith.constant 0 : i32
      %dma_wait3A_271 = tpu.memref_slice %arg2[%dma_wait3A_269, %add3A_268, %dma_wait3A_270] : memref<4x8192x1024xf32, #tpu.memory_space<hbm>> -> memref<1x8x1024xf32, #tpu.memory_space<hbm>>
      %dma_wait3A_272 = tpu.memref_squeeze %dma_wait3A_271 : memref<1x8x1024xf32, #tpu.memory_space<hbm>> -> memref<8x1024xf32, #tpu.memory_space<hbm>>
      %dma_wait3A_273 = arith.constant 0 : i32
      %dma_wait3A_274 = tpu.memref_slice %arg2[%dma_wait3A_269, %add3A_268, %dma_wait3A_273] : memref<4x8192x1024xf32, #tpu.memory_space<hbm>> -> memref<1x8x1024xf32, #tpu.memory_space<hbm>>
      %dma_wait3A_275 = tpu.memref_squeeze %dma_wait3A_274 : memref<1x8x1024xf32, #tpu.memory_space<hbm>> -> memref<8x1024xf32, #tpu.memory_space<hbm>>
      tpu.wait_dma2 semaphore(%arg22 : memref<!tpu.dma_semaphore, #tpu.memory_space<semaphore_mem>>) src(%dma_wait3A_275 : memref<8x1024xf32, #tpu.memory_space<hbm>>) dst(%arg12 : memref<8x1024xf32, #tpu.memory_space<vmem>>)
      %parallel_loop3A_276 = arith.constant 0 : i32
      %parallel_loop3A_277 = arith.constant 512 : i32
      %parallel_loop3A_278 = arith.constant 1 : i32
      scf.for %parallel_loop3A_335 = %parallel_loop3A_276 to %parallel_loop3A_277 step %parallel_loop3A_278  : i32 {
        %parallel_loop3A_336 = arith.constant 64 : i32
        %parallel_loop3A_337 = arith.divsi %parallel_loop3A_335, %parallel_loop3A_336 : i32
        %parallel_loop3A_338 = arith.constant 0 : i32
        %parallel_loop3A_339 = arith.cmpi sgt, %parallel_loop3A_335, %parallel_loop3A_338 : i32
        %parallel_loop3A_340 = arith.extui %parallel_loop3A_339 : i1 to i32
        %parallel_loop3A_341 = arith.constant 0 : i32
        %parallel_loop3A_342 = arith.cmpi slt, %parallel_loop3A_335, %parallel_loop3A_341 : i32
        %parallel_loop3A_343 = arith.extui %parallel_loop3A_342 : i1 to i32
        %parallel_loop3A_344 = arith.subi %parallel_loop3A_340, %parallel_loop3A_343 : i32
        %parallel_loop3A_345 = arith.constant 0 : i32
        %parallel_loop3A_346 = arith.cmpi sgt, %parallel_loop3A_336, %parallel_loop3A_345 : i32
        %parallel_loop3A_347 = arith.extui %parallel_loop3A_346 : i1 to i32
        %parallel_loop3A_348 = arith.constant 0 : i32
        %parallel_loop3A_349 = arith.cmpi slt, %parallel_loop3A_336, %parallel_loop3A_348 : i32
        %parallel_loop3A_350 = arith.extui %parallel_loop3A_349 : i1 to i32
        %parallel_loop3A_351 = arith.subi %parallel_loop3A_347, %parallel_loop3A_350 : i32
        %parallel_loop3A_352 = arith.cmpi ne, %parallel_loop3A_344, %parallel_loop3A_351 : i32
        %parallel_loop3A_353 = arith.remsi %parallel_loop3A_335, %parallel_loop3A_336 : i32
        %parallel_loop3A_354 = arith.constant 0 : i32
        %parallel_loop3A_355 = arith.cmpi ne, %parallel_loop3A_353, %parallel_loop3A_354 : i32
        %parallel_loop3A_356 = arith.andi %parallel_loop3A_352, %parallel_loop3A_355 : i1
        %parallel_loop3A_357 = arith.constant 1 : i32
        %parallel_loop3A_358 = arith.subi %parallel_loop3A_337, %parallel_loop3A_357 : i32
        %parallel_loop3A_359 = arith.select %parallel_loop3A_356, %parallel_loop3A_358, %parallel_loop3A_337 : i32
        %parallel_loop3A_360 = arith.constant 64 : i32
        %parallel_loop3A_361 = arith.constant 0 : i32
        %parallel_loop3A_362 = arith.cmpi eq, %parallel_loop3A_360, %parallel_loop3A_361 : i32
        %parallel_loop3A_363 = arith.constant 1 : i32
        %parallel_loop3A_364 = arith.select %parallel_loop3A_362, %parallel_loop3A_363, %parallel_loop3A_360 : i32
        %parallel_loop3A_365 = arith.remsi %parallel_loop3A_335, %parallel_loop3A_364 : i32
        %parallel_loop3A_366 = arith.constant 0 : i32
        %parallel_loop3A_367 = arith.cmpi ne, %parallel_loop3A_365, %parallel_loop3A_366 : i32
        %parallel_loop3A_368 = arith.constant 0 : i32
        %parallel_loop3A_369 = arith.cmpi slt, %parallel_loop3A_365, %parallel_loop3A_368 : i32
        %parallel_loop3A_370 = arith.constant 0 : i32
        %parallel_loop3A_371 = arith.cmpi slt, %parallel_loop3A_364, %parallel_loop3A_370 : i32
        %parallel_loop3A_372 = arith.xori %parallel_loop3A_369, %parallel_loop3A_371 : i1
        %parallel_loop3A_373 = arith.andi %parallel_loop3A_372, %parallel_loop3A_367 : i1
        %parallel_loop3A_374 = arith.addi %parallel_loop3A_365, %parallel_loop3A_364 : i32
        %parallel_loop3A_375 = arith.select %parallel_loop3A_373, %parallel_loop3A_374, %parallel_loop3A_365 : i32
        %parallel_loop3A_376 = arith.constant 16 : i32
        %parallel_loop3A_377 = arith.muli %parallel_loop3A_375, %parallel_loop3A_376 : i32
        %parallel_loop3A_378 = arith.index_cast %parallel_loop3A_359 : i32 to index
        %parallel_loop3A_379 = arith.index_cast %parallel_loop3A_377 : i32 to index
        %parallel_loop3A_380 = tpu.vector_load %arg6[%parallel_loop3A_378, %parallel_loop3A_379] {strides = array<i32>} : memref<8x1024xf32, #tpu.memory_space<vmem>>, vector<1x16xf32>,
        %parallel_loop3A_381 = vector.shape_cast %parallel_loop3A_380 : vector<1x16xf32> to vector<16xf32>
        %parallel_loop3A_382 = arith.index_cast %parallel_loop3A_359 : i32 to index
        %parallel_loop3A_383 = arith.index_cast %parallel_loop3A_377 : i32 to index
        %parallel_loop3A_384 = tpu.vector_load %arg12[%parallel_loop3A_382, %parallel_loop3A_383] {strides = array<i32>} : memref<8x1024xf32, #tpu.memory_space<vmem>>, vector<1x16xf32>,
        %parallel_loop3A_385 = vector.shape_cast %parallel_loop3A_384 : vector<1x16xf32> to vector<16xf32>
        %parallel_loop3A_386 = vector.shape_cast %parallel_loop3A_381 : vector<16xf32> to vector<1x16xf32>
        tpu.vector_store %arg12[%parallel_loop3A_382, %parallel_loop3A_383], %parallel_loop3A_386 {add = true, strides = array<i32>} : memref<8x1024xf32, #tpu.memory_space<vmem>>, vector<1x16xf32>,
      } {sc.loop_unroll_factor = 8 : i64, sc.parallel_access}
      %mul3A_279 = arith.constant 8 : i32
      %mul3A_280 = arith.muli %add3A_228, %mul3A_279 : i32
      %add3A_281 = arith.addi %mul3A_2, %mul3A_280 : i32
      %dma_start3A_282 = arith.constant 1 : i32
      %dma_start3A_283 = arith.constant 0 : i32
      %dma_start3A_284 = tpu.memref_slice %arg4[%dma_start3A_282, %add3A_281, %dma_start3A_283] : memref<4x8192x1024xf32, #tpu.memory_space<hbm>> -> memref<1x8x1024xf32, #tpu.memory_space<hbm>>
      %dma_start3A_285 = tpu.memref_squeeze %dma_start3A_284 : memref<1x8x1024xf32, #tpu.memory_space<hbm>> -> memref<8x1024xf32, #tpu.memory_space<hbm>>
      %dma_start3A_286 = arith.constant 0 : i32
      %dma_start3A_287 = tpu.memref_slice %arg4[%dma_start3A_282, %add3A_281, %dma_start3A_286] : memref<4x8192x1024xf32, #tpu.memory_space<hbm>> -> memref<1x8x1024xf32, #tpu.memory_space<hbm>>
      %dma_start3A_288 = tpu.memref_squeeze %dma_start3A_287 : memref<1x8x1024xf32, #tpu.memory_space<hbm>> -> memref<8x1024xf32, #tpu.memory_space<hbm>>
      tpu.enqueue_dma source(%arg12 : memref<8x1024xf32, #tpu.memory_space<vmem>>) target(%dma_start3A_288 : memref<8x1024xf32, #tpu.memory_space<hbm>>) target_semaphore(%arg30 : memref<!tpu.dma_semaphore, #tpu.memory_space<semaphore_mem>>)
      %mul3A_289 = arith.constant 8 : i32
      %mul3A_290 = arith.muli %add3A_228, %mul3A_289 : i32
      %add3A_291 = arith.addi %mul3A_2, %mul3A_290 : i32
      %dma_wait3A_292 = arith.constant 2 : i32
      %dma_wait3A_293 = arith.constant 0 : i32
      %dma_wait3A_294 = tpu.memref_slice %arg2[%dma_wait3A_292, %add3A_291, %dma_wait3A_293] : memref<4x8192x1024xf32, #tpu.memory_space<hbm>> -> memref<1x8x1024xf32, #tpu.memory_space<hbm>>
      %dma_wait3A_295 = tpu.memref_squeeze %dma_wait3A_294 : memref<1x8x1024xf32, #tpu.memory_space<hbm>> -> memref<8x1024xf32, #tpu.memory_space<hbm>>
      %dma_wait3A_296 = arith.constant 0 : i32
      %dma_wait3A_297 = tpu.memref_slice %arg2[%dma_wait3A_292, %add3A_291, %dma_wait3A_296] : memref<4x8192x1024xf32, #tpu.memory_space<hbm>> -> memref<1x8x1024xf32, #tpu.memory_space<hbm>>
      %dma_wait3A_298 = tpu.memref_squeeze %dma_wait3A_297 : memref<1x8x1024xf32, #tpu.memory_space<hbm>> -> memref<8x1024xf32, #tpu.memory_space<hbm>>
      tpu.wait_dma2 semaphore(%arg23 : memref<!tpu.dma_semaphore, #tpu.memory_space<semaphore_mem>>) src(%dma_wait3A_298 : memref<8x1024xf32, #tpu.memory_space<hbm>>) dst(%arg13 : memref<8x1024xf32, #tpu.memory_space<vmem>>)
      %parallel_loop3A_299 = arith.constant 0 : i32
      %parallel_loop3A_300 = arith.constant 512 : i32
      %parallel_loop3A_301 = arith.constant 1 : i32
      scf.for %parallel_loop3A_335 = %parallel_loop3A_299 to %parallel_loop3A_300 step %parallel_loop3A_301  : i32 {
        %parallel_loop3A_336 = arith.constant 64 : i32
        %parallel_loop3A_337 = arith.divsi %parallel_loop3A_335, %parallel_loop3A_336 : i32
        %parallel_loop3A_338 = arith.constant 0 : i32
        %parallel_loop3A_339 = arith.cmpi sgt, %parallel_loop3A_335, %parallel_loop3A_338 : i32
        %parallel_loop3A_340 = arith.extui %parallel_loop3A_339 : i1 to i32
        %parallel_loop3A_341 = arith.constant 0 : i32
        %parallel_loop3A_342 = arith.cmpi slt, %parallel_loop3A_335, %parallel_loop3A_341 : i32
        %parallel_loop3A_343 = arith.extui %parallel_loop3A_342 : i1 to i32
        %parallel_loop3A_344 = arith.subi %parallel_loop3A_340, %parallel_loop3A_343 : i32
        %parallel_loop3A_345 = arith.constant 0 : i32
        %parallel_loop3A_346 = arith.cmpi sgt, %parallel_loop3A_336, %parallel_loop3A_345 : i32
        %parallel_loop3A_347 = arith.extui %parallel_loop3A_346 : i1 to i32
        %parallel_loop3A_348 = arith.constant 0 : i32
        %parallel_loop3A_349 = arith.cmpi slt, %parallel_loop3A_336, %parallel_loop3A_348 : i32
        %parallel_loop3A_350 = arith.extui %parallel_loop3A_349 : i1 to i32
        %parallel_loop3A_351 = arith.subi %parallel_loop3A_347, %parallel_loop3A_350 : i32
        %parallel_loop3A_352 = arith.cmpi ne, %parallel_loop3A_344, %parallel_loop3A_351 : i32
        %parallel_loop3A_353 = arith.remsi %parallel_loop3A_335, %parallel_loop3A_336 : i32
        %parallel_loop3A_354 = arith.constant 0 : i32
        %parallel_loop3A_355 = arith.cmpi ne, %parallel_loop3A_353, %parallel_loop3A_354 : i32
        %parallel_loop3A_356 = arith.andi %parallel_loop3A_352, %parallel_loop3A_355 : i1
        %parallel_loop3A_357 = arith.constant 1 : i32
        %parallel_loop3A_358 = arith.subi %parallel_loop3A_337, %parallel_loop3A_357 : i32
        %parallel_loop3A_359 = arith.select %parallel_loop3A_356, %parallel_loop3A_358, %parallel_loop3A_337 : i32
        %parallel_loop3A_360 = arith.constant 64 : i32
        %parallel_loop3A_361 = arith.constant 0 : i32
        %parallel_loop3A_362 = arith.cmpi eq, %parallel_loop3A_360, %parallel_loop3A_361 : i32
        %parallel_loop3A_363 = arith.constant 1 : i32
        %parallel_loop3A_364 = arith.select %parallel_loop3A_362, %parallel_loop3A_363, %parallel_loop3A_360 : i32
        %parallel_loop3A_365 = arith.remsi %parallel_loop3A_335, %parallel_loop3A_364 : i32
        %parallel_loop3A_366 = arith.constant 0 : i32
        %parallel_loop3A_367 = arith.cmpi ne, %parallel_loop3A_365, %parallel_loop3A_366 : i32
        %parallel_loop3A_368 = arith.constant 0 : i32
        %parallel_loop3A_369 = arith.cmpi slt, %parallel_loop3A_365, %parallel_loop3A_368 : i32
        %parallel_loop3A_370 = arith.constant 0 : i32
        %parallel_loop3A_371 = arith.cmpi slt, %parallel_loop3A_364, %parallel_loop3A_370 : i32
        %parallel_loop3A_372 = arith.xori %parallel_loop3A_369, %parallel_loop3A_371 : i1
        %parallel_loop3A_373 = arith.andi %parallel_loop3A_372, %parallel_loop3A_367 : i1
        %parallel_loop3A_374 = arith.addi %parallel_loop3A_365, %parallel_loop3A_364 : i32
        %parallel_loop3A_375 = arith.select %parallel_loop3A_373, %parallel_loop3A_374, %parallel_loop3A_365 : i32
        %parallel_loop3A_376 = arith.constant 16 : i32
        %parallel_loop3A_377 = arith.muli %parallel_loop3A_375, %parallel_loop3A_376 : i32
        %parallel_loop3A_378 = arith.index_cast %parallel_loop3A_359 : i32 to index
        %parallel_loop3A_379 = arith.index_cast %parallel_loop3A_377 : i32 to index
        %parallel_loop3A_380 = tpu.vector_load %arg6[%parallel_loop3A_378, %parallel_loop3A_379] {strides = array<i32>} : memref<8x1024xf32, #tpu.memory_space<vmem>>, vector<1x16xf32>,
        %parallel_loop3A_381 = vector.shape_cast %parallel_loop3A_380 : vector<1x16xf32> to vector<16xf32>
        %parallel_loop3A_382 = arith.index_cast %parallel_loop3A_359 : i32 to index
        %parallel_loop3A_383 = arith.index_cast %parallel_loop3A_377 : i32 to index
        %parallel_loop3A_384 = tpu.vector_load %arg13[%parallel_loop3A_382, %parallel_loop3A_383] {strides = array<i32>} : memref<8x1024xf32, #tpu.memory_space<vmem>>, vector<1x16xf32>,
        %parallel_loop3A_385 = vector.shape_cast %parallel_loop3A_384 : vector<1x16xf32> to vector<16xf32>
        %parallel_loop3A_386 = vector.shape_cast %parallel_loop3A_381 : vector<16xf32> to vector<1x16xf32>
        tpu.vector_store %arg13[%parallel_loop3A_382, %parallel_loop3A_383], %parallel_loop3A_386 {add = true, strides = array<i32>} : memref<8x1024xf32, #tpu.memory_space<vmem>>, vector<1x16xf32>,
      } {sc.loop_unroll_factor = 8 : i64, sc.parallel_access}
      %mul3A_302 = arith.constant 8 : i32
      %mul3A_303 = arith.muli %add3A_228, %mul3A_302 : i32
      %add3A_304 = arith.addi %mul3A_2, %mul3A_303 : i32
      %dma_start3A_305 = arith.constant 2 : i32
      %dma_start3A_306 = arith.constant 0 : i32
      %dma_start3A_307 = tpu.memref_slice %arg4[%dma_start3A_305, %add3A_304, %dma_start3A_306] : memref<4x8192x1024xf32, #tpu.memory_space<hbm>> -> memref<1x8x1024xf32, #tpu.memory_space<hbm>>
      %dma_start3A_308 = tpu.memref_squeeze %dma_start3A_307 : memref<1x8x1024xf32, #tpu.memory_space<hbm>> -> memref<8x1024xf32, #tpu.memory_space<hbm>>
      %dma_start3A_309 = arith.constant 0 : i32
      %dma_start3A_310 = tpu.memref_slice %arg4[%dma_start3A_305, %add3A_304, %dma_start3A_309] : memref<4x8192x1024xf32, #tpu.memory_space<hbm>> -> memref<1x8x1024xf32, #tpu.memory_space<hbm>>
      %dma_start3A_311 = tpu.memref_squeeze %dma_start3A_310 : memref<1x8x1024xf32, #tpu.memory_space<hbm>> -> memref<8x1024xf32, #tpu.memory_space<hbm>>
      tpu.enqueue_dma source(%arg13 : memref<8x1024xf32, #tpu.memory_space<vmem>>) target(%dma_start3A_311 : memref<8x1024xf32, #tpu.memory_space<hbm>>) target_semaphore(%arg31 : memref<!tpu.dma_semaphore, #tpu.memory_space<semaphore_mem>>)
      %mul3A_312 = arith.constant 8 : i32
      %mul3A_313 = arith.muli %add3A_228, %mul3A_312 : i32
      %add3A_314 = arith.addi %mul3A_2, %mul3A_313 : i32
      %dma_wait3A_315 = arith.constant 3 : i32
      %dma_wait3A_316 = arith.constant 0 : i32
      %dma_wait3A_317 = tpu.memref_slice %arg2[%dma_wait3A_315, %add3A_314, %dma_wait3A_316] : memref<4x8192x1024xf32, #tpu.memory_space<hbm>> -> memref<1x8x1024xf32, #tpu.memory_space<hbm>>
      %dma_wait3A_318 = tpu.memref_squeeze %dma_wait3A_317 : memref<1x8x1024xf32, #tpu.memory_space<hbm>> -> memref<8x1024xf32, #tpu.memory_space<hbm>>
      %dma_wait3A_319 = arith.constant 0 : i32
      %dma_wait3A_320 = tpu.memref_slice %arg2[%dma_wait3A_315, %add3A_314, %dma_wait3A_319] : memref<4x8192x1024xf32, #tpu.memory_space<hbm>> -> memref<1x8x1024xf32, #tpu.memory_space<hbm>>
      %dma_wait3A_321 = tpu.memref_squeeze %dma_wait3A_320 : memref<1x8x1024xf32, #tpu.memory_space<hbm>> -> memref<8x1024xf32, #tpu.memory_space<hbm>>
      tpu.wait_dma2 semaphore(%arg24 : memref<!tpu.dma_semaphore, #tpu.memory_space<semaphore_mem>>) src(%dma_wait3A_321 : memref<8x1024xf32, #tpu.memory_space<hbm>>) dst(%arg14 : memref<8x1024xf32, #tpu.memory_space<vmem>>)
      %parallel_loop3A_322 = arith.constant 0 : i32
      %parallel_loop3A_323 = arith.constant 512 : i32
      %parallel_loop3A_324 = arith.constant 1 : i32
      scf.for %parallel_loop3A_335 = %parallel_loop3A_322 to %parallel_loop3A_323 step %parallel_loop3A_324  : i32 {
        %parallel_loop3A_336 = arith.constant 64 : i32
        %parallel_loop3A_337 = arith.divsi %parallel_loop3A_335, %parallel_loop3A_336 : i32
        %parallel_loop3A_338 = arith.constant 0 : i32
        %parallel_loop3A_339 = arith.cmpi sgt, %parallel_loop3A_335, %parallel_loop3A_338 : i32
        %parallel_loop3A_340 = arith.extui %parallel_loop3A_339 : i1 to i32
        %parallel_loop3A_341 = arith.constant 0 : i32
        %parallel_loop3A_342 = arith.cmpi slt, %parallel_loop3A_335, %parallel_loop3A_341 : i32
        %parallel_loop3A_343 = arith.extui %parallel_loop3A_342 : i1 to i32
        %parallel_loop3A_344 = arith.subi %parallel_loop3A_340, %parallel_loop3A_343 : i32
        %parallel_loop3A_345 = arith.constant 0 : i32
        %parallel_loop3A_346 = arith.cmpi sgt, %parallel_loop3A_336, %parallel_loop3A_345 : i32
        %parallel_loop3A_347 = arith.extui %parallel_loop3A_346 : i1 to i32
        %parallel_loop3A_348 = arith.constant 0 : i32
        %parallel_loop3A_349 = arith.cmpi slt, %parallel_loop3A_336, %parallel_loop3A_348 : i32
        %parallel_loop3A_350 = arith.extui %parallel_loop3A_349 : i1 to i32
        %parallel_loop3A_351 = arith.subi %parallel_loop3A_347, %parallel_loop3A_350 : i32
        %parallel_loop3A_352 = arith.cmpi ne, %parallel_loop3A_344, %parallel_loop3A_351 : i32
        %parallel_loop3A_353 = arith.remsi %parallel_loop3A_335, %parallel_loop3A_336 : i32
        %parallel_loop3A_354 = arith.constant 0 : i32
        %parallel_loop3A_355 = arith.cmpi ne, %parallel_loop3A_353, %parallel_loop3A_354 : i32
        %parallel_loop3A_356 = arith.andi %parallel_loop3A_352, %parallel_loop3A_355 : i1
        %parallel_loop3A_357 = arith.constant 1 : i32
        %parallel_loop3A_358 = arith.subi %parallel_loop3A_337, %parallel_loop3A_357 : i32
        %parallel_loop3A_359 = arith.select %parallel_loop3A_356, %parallel_loop3A_358, %parallel_loop3A_337 : i32
        %parallel_loop3A_360 = arith.constant 64 : i32
        %parallel_loop3A_361 = arith.constant 0 : i32
        %parallel_loop3A_362 = arith.cmpi eq, %parallel_loop3A_360, %parallel_loop3A_361 : i32
        %parallel_loop3A_363 = arith.constant 1 : i32
        %parallel_loop3A_364 = arith.select %parallel_loop3A_362, %parallel_loop3A_363, %parallel_loop3A_360 : i32
        %parallel_loop3A_365 = arith.remsi %parallel_loop3A_335, %parallel_loop3A_364 : i32
        %parallel_loop3A_366 = arith.constant 0 : i32
        %parallel_loop3A_367 = arith.cmpi ne, %parallel_loop3A_365, %parallel_loop3A_366 : i32
        %parallel_loop3A_368 = arith.constant 0 : i32
        %parallel_loop3A_369 = arith.cmpi slt, %parallel_loop3A_365, %parallel_loop3A_368 : i32
        %parallel_loop3A_370 = arith.constant 0 : i32
        %parallel_loop3A_371 = arith.cmpi slt, %parallel_loop3A_364, %parallel_loop3A_370 : i32
        %parallel_loop3A_372 = arith.xori %parallel_loop3A_369, %parallel_loop3A_371 : i1
        %parallel_loop3A_373 = arith.andi %parallel_loop3A_372, %parallel_loop3A_367 : i1
        %parallel_loop3A_374 = arith.addi %parallel_loop3A_365, %parallel_loop3A_364 : i32
        %parallel_loop3A_375 = arith.select %parallel_loop3A_373, %parallel_loop3A_374, %parallel_loop3A_365 : i32
        %parallel_loop3A_376 = arith.constant 16 : i32
        %parallel_loop3A_377 = arith.muli %parallel_loop3A_375, %parallel_loop3A_376 : i32
        %parallel_loop3A_378 = arith.index_cast %parallel_loop3A_359 : i32 to index
        %parallel_loop3A_379 = arith.index_cast %parallel_loop3A_377 : i32 to index
        %parallel_loop3A_380 = tpu.vector_load %arg6[%parallel_loop3A_378, %parallel_loop3A_379] {strides = array<i32>} : memref<8x1024xf32, #tpu.memory_space<vmem>>, vector<1x16xf32>,
        %parallel_loop3A_381 = vector.shape_cast %parallel_loop3A_380 : vector<1x16xf32> to vector<16xf32>
        %parallel_loop3A_382 = arith.index_cast %parallel_loop3A_359 : i32 to index
        %parallel_loop3A_383 = arith.index_cast %parallel_loop3A_377 : i32 to index
        %parallel_loop3A_384 = tpu.vector_load %arg14[%parallel_loop3A_382, %parallel_loop3A_383] {strides = array<i32>} : memref<8x1024xf32, #tpu.memory_space<vmem>>, vector<1x16xf32>,
        %parallel_loop3A_385 = vector.shape_cast %parallel_loop3A_384 : vector<1x16xf32> to vector<16xf32>
        %parallel_loop3A_386 = vector.shape_cast %parallel_loop3A_381 : vector<16xf32> to vector<1x16xf32>
        tpu.vector_store %arg14[%parallel_loop3A_382, %parallel_loop3A_383], %parallel_loop3A_386 {add = true, strides = array<i32>} : memref<8x1024xf32, #tpu.memory_space<vmem>>, vector<1x16xf32>,
      } {sc.loop_unroll_factor = 8 : i64, sc.parallel_access}
      %mul3A_325 = arith.constant 8 : i32
      %mul3A_326 = arith.muli %add3A_228, %mul3A_325 : i32
      %add3A_327 = arith.addi %mul3A_2, %mul3A_326 : i32
      %dma_start3A_328 = arith.constant 3 : i32
      %dma_start3A_329 = arith.constant 0 : i32
      %dma_start3A_330 = tpu.memref_slice %arg4[%dma_start3A_328, %add3A_327, %dma_start3A_329] : memref<4x8192x1024xf32, #tpu.memory_space<hbm>> -> memref<1x8x1024xf32, #tpu.memory_space<hbm>>
      %dma_start3A_331 = tpu.memref_squeeze %dma_start3A_330 : memref<1x8x1024xf32, #tpu.memory_space<hbm>> -> memref<8x1024xf32, #tpu.memory_space<hbm>>
      %dma_start3A_332 = arith.constant 0 : i32
      %dma_start3A_333 = tpu.memref_slice %arg4[%dma_start3A_328, %add3A_327, %dma_start3A_332] : memref<4x8192x1024xf32, #tpu.memory_space<hbm>> -> memref<1x8x1024xf32, #tpu.memory_space<hbm>>
      %dma_start3A_334 = tpu.memref_squeeze %dma_start3A_333 : memref<1x8x1024xf32, #tpu.memory_space<hbm>> -> memref<8x1024xf32, #tpu.memory_space<hbm>>
      tpu.enqueue_dma source(%arg14 : memref<8x1024xf32, #tpu.memory_space<vmem>>) target(%dma_start3A_334 : memref<8x1024xf32, #tpu.memory_space<hbm>>) target_semaphore(%arg32 : memref<!tpu.dma_semaphore, #tpu.memory_space<semaphore_mem>>)
    }
    %scan3A_48 = arith.constant 16 : i32
    %add3A_49 = arith.constant 240 : i32
    %add3A_50 = arith.addi %mul3A_2, %add3A_49 : i32
    %dma_wait3A = arith.constant 0 : i32
    %dma_wait3A_51 = arith.constant 0 : i32
    %dma_wait3A_52 = tpu.memref_slice %arg4[%dma_wait3A, %add3A_50, %dma_wait3A_51] : memref<4x8192x1024xf32, #tpu.memory_space<hbm>> -> memref<1x8x1024xf32, #tpu.memory_space<hbm>>
    %dma_wait3A_53 = tpu.memref_squeeze %dma_wait3A_52 : memref<1x8x1024xf32, #tpu.memory_space<hbm>> -> memref<8x1024xf32, #tpu.memory_space<hbm>>
    %dma_wait3A_54 = arith.constant 0 : i32
    %dma_wait3A_55 = tpu.memref_slice %arg4[%dma_wait3A, %add3A_50, %dma_wait3A_54] : memref<4x8192x1024xf32, #tpu.memory_space<hbm>> -> memref<1x8x1024xf32, #tpu.memory_space<hbm>>
    %dma_wait3A_56 = tpu.memref_squeeze %dma_wait3A_55 : memref<1x8x1024xf32, #tpu.memory_space<hbm>> -> memref<8x1024xf32, #tpu.memory_space<hbm>>
    tpu.wait_dma2 semaphore(%arg25 : memref<!tpu.dma_semaphore, #tpu.memory_space<semaphore_mem>>) src(%arg7 : memref<8x1024xf32, #tpu.memory_space<vmem>>) dst(%dma_wait3A_56 : memref<8x1024xf32, #tpu.memory_space<hbm>>)
    %add3A_57 = arith.constant 240 : i32
    %add3A_58 = arith.addi %mul3A_2, %add3A_57 : i32
    %dma_wait3A_59 = arith.constant 1 : i32
    %dma_wait3A_60 = arith.constant 0 : i32
    %dma_wait3A_61 = tpu.memref_slice %arg4[%dma_wait3A_59, %add3A_58, %dma_wait3A_60] : memref<4x8192x1024xf32, #tpu.memory_space<hbm>> -> memref<1x8x1024xf32, #tpu.memory_space<hbm>>
    %dma_wait3A_62 = tpu.memref_squeeze %dma_wait3A_61 : memref<1x8x1024xf32, #tpu.memory_space<hbm>> -> memref<8x1024xf32, #tpu.memory_space<hbm>>
    %dma_wait3A_63 = arith.constant 0 : i32
    %dma_wait3A_64 = tpu.memref_slice %arg4[%dma_wait3A_59, %add3A_58, %dma_wait3A_63] : memref<4x8192x1024xf32, #tpu.memory_space<hbm>> -> memref<1x8x1024xf32, #tpu.memory_space<hbm>>
    %dma_wait3A_65 = tpu.memref_squeeze %dma_wait3A_64 : memref<1x8x1024xf32, #tpu.memory_space<hbm>> -> memref<8x1024xf32, #tpu.memory_space<hbm>>
    tpu.wait_dma2 semaphore(%arg26 : memref<!tpu.dma_semaphore, #tpu.memory_space<semaphore_mem>>) src(%arg8 : memref<8x1024xf32, #tpu.memory_space<vmem>>) dst(%dma_wait3A_65 : memref<8x1024xf32, #tpu.memory_space<hbm>>)
    %add3A_66 = arith.constant 240 : i32
    %add3A_67 = arith.addi %mul3A_2, %add3A_66 : i32
    %dma_wait3A_68 = arith.constant 2 : i32
    %dma_wait3A_69 = arith.constant 0 : i32
    %dma_wait3A_70 = tpu.memref_slice %arg4[%dma_wait3A_68, %add3A_67, %dma_wait3A_69] : memref<4x8192x1024xf32, #tpu.memory_space<hbm>> -> memref<1x8x1024xf32, #tpu.memory_space<hbm>>
    %dma_wait3A_71 = tpu.memref_squeeze %dma_wait3A_70 : memref<1x8x1024xf32, #tpu.memory_space<hbm>> -> memref<8x1024xf32, #tpu.memory_space<hbm>>
    %dma_wait3A_72 = arith.constant 0 : i32
    %dma_wait3A_73 = tpu.memref_slice %arg4[%dma_wait3A_68, %add3A_67, %dma_wait3A_72] : memref<4x8192x1024xf32, #tpu.memory_space<hbm>> -> memref<1x8x1024xf32, #tpu.memory_space<hbm>>
    %dma_wait3A_74 = tpu.memref_squeeze %dma_wait3A_73 : memref<1x8x1024xf32, #tpu.memory_space<hbm>> -> memref<8x1024xf32, #tpu.memory_space<hbm>>
    tpu.wait_dma2 semaphore(%arg27 : memref<!tpu.dma_semaphore, #tpu.memory_space<semaphore_mem>>) src(%arg9 : memref<8x1024xf32, #tpu.memory_space<vmem>>) dst(%dma_wait3A_74 : memref<8x1024xf32, #tpu.memory_space<hbm>>)
    %add3A_75 = arith.constant 240 : i32
    %add3A_76 = arith.addi %mul3A_2, %add3A_75 : i32
    %dma_wait3A_77 = arith.constant 3 : i32
    %dma_wait3A_78 = arith.constant 0 : i32
    %dma_wait3A_79 = tpu.memref_slice %arg4[%dma_wait3A_77, %add3A_76, %dma_wait3A_78] : memref<4x8192x1024xf32, #tpu.memory_space<hbm>> -> memref<1x8x1024xf32, #tpu.memory_space<hbm>>
    %dma_wait3A_80 = tpu.memref_squeeze %dma_wait3A_79 : memref<1x8x1024xf32, #tpu.memory_space<hbm>> -> memref<8x1024xf32, #tpu.memory_space<hbm>>
    %dma_wait3A_81 = arith.constant 0 : i32
    %dma_wait3A_82 = tpu.memref_slice %arg4[%dma_wait3A_77, %add3A_76, %dma_wait3A_81] : memref<4x8192x1024xf32, #tpu.memory_space<hbm>> -> memref<1x8x1024xf32, #tpu.memory_space<hbm>>
    %dma_wait3A_83 = tpu.memref_squeeze %dma_wait3A_82 : memref<1x8x1024xf32, #tpu.memory_space<hbm>> -> memref<8x1024xf32, #tpu.memory_space<hbm>>
    tpu.wait_dma2 semaphore(%arg28 : memref<!tpu.dma_semaphore, #tpu.memory_space<semaphore_mem>>) src(%arg10 : memref<8x1024xf32, #tpu.memory_space<vmem>>) dst(%dma_wait3A_83 : memref<8x1024xf32, #tpu.memory_space<hbm>>)
    %add3A_84 = arith.constant 248 : i32
    %add3A_85 = arith.addi %mul3A_2, %add3A_84 : i32
    %dma_wait3A_86 = arith.constant 0 : i32
    %dma_wait3A_87 = arith.constant 0 : i32
    %dma_wait3A_88 = tpu.memref_slice %arg4[%dma_wait3A_86, %add3A_85, %dma_wait3A_87] : memref<4x8192x1024xf32, #tpu.memory_space<hbm>> -> memref<1x8x1024xf32, #tpu.memory_space<hbm>>
    %dma_wait3A_89 = tpu.memref_squeeze %dma_wait3A_88 : memref<1x8x1024xf32, #tpu.memory_space<hbm>> -> memref<8x1024xf32, #tpu.memory_space<hbm>>
    %dma_wait3A_90 = arith.constant 0 : i32
    %dma_wait3A_91 = tpu.memref_slice %arg4[%dma_wait3A_86, %add3A_85, %dma_wait3A_90] : memref<4x8192x1024xf32, #tpu.memory_space<hbm>> -> memref<1x8x1024xf32, #tpu.memory_space<hbm>>
    %dma_wait3A_92 = tpu.memref_squeeze %dma_wait3A_91 : memref<1x8x1024xf32, #tpu.memory_space<hbm>> -> memref<8x1024xf32, #tpu.memory_space<hbm>>
    tpu.wait_dma2 semaphore(%arg29 : memref<!tpu.dma_semaphore, #tpu.memory_space<semaphore_mem>>) src(%arg11 : memref<8x1024xf32, #tpu.memory_space<vmem>>) dst(%dma_wait3A_92 : memref<8x1024xf32, #tpu.memory_space<hbm>>)
    %add3A_93 = arith.constant 248 : i32
    %add3A_94 = arith.addi %mul3A_2, %add3A_93 : i32
    %dma_wait3A_95 = arith.constant 1 : i32
    %dma_wait3A_96 = arith.constant 0 : i32
    %dma_wait3A_97 = tpu.memref_slice %arg4[%dma_wait3A_95, %add3A_94, %dma_wait3A_96] : memref<4x8192x1024xf32, #tpu.memory_space<hbm>> -> memref<1x8x1024xf32, #tpu.memory_space<hbm>>
    %dma_wait3A_98 = tpu.memref_squeeze %dma_wait3A_97 : memref<1x8x1024xf32, #tpu.memory_space<hbm>> -> memref<8x1024xf32, #tpu.memory_space<hbm>>
    %dma_wait3A_99 = arith.constant 0 : i32
    %dma_wait3A_100 = tpu.memref_slice %arg4[%dma_wait3A_95, %add3A_94, %dma_wait3A_99] : memref<4x8192x1024xf32, #tpu.memory_space<hbm>> -> memref<1x8x1024xf32, #tpu.memory_space<hbm>>
    %dma_wait3A_101 = tpu.memref_squeeze %dma_wait3A_100 : memref<1x8x1024xf32, #tpu.memory_space<hbm>> -> memref<8x1024xf32, #tpu.memory_space<hbm>>
    tpu.wait_dma2 semaphore(%arg30 : memref<!tpu.dma_semaphore, #tpu.memory_space<semaphore_mem>>) src(%arg12 : memref<8x1024xf32, #tpu.memory_space<vmem>>) dst(%dma_wait3A_101 : memref<8x1024xf32, #tpu.memory_space<hbm>>)
    %add3A_102 = arith.constant 248 : i32
    %add3A_103 = arith.addi %mul3A_2, %add3A_102 : i32
    %dma_wait3A_104 = arith.constant 2 : i32
    %dma_wait3A_105 = arith.constant 0 : i32
    %dma_wait3A_106 = tpu.memref_slice %arg4[%dma_wait3A_104, %add3A_103, %dma_wait3A_105] : memref<4x8192x1024xf32, #tpu.memory_space<hbm>> -> memref<1x8x1024xf32, #tpu.memory_space<hbm>>
    %dma_wait3A_107 = tpu.memref_squeeze %dma_wait3A_106 : memref<1x8x1024xf32, #tpu.memory_space<hbm>> -> memref<8x1024xf32, #tpu.memory_space<hbm>>
    %dma_wait3A_108 = arith.constant 0 : i32
    %dma_wait3A_109 = tpu.memref_slice %arg4[%dma_wait3A_104, %add3A_103, %dma_wait3A_108] : memref<4x8192x1024xf32, #tpu.memory_space<hbm>> -> memref<1x8x1024xf32, #tpu.memory_space<hbm>>
    %dma_wait3A_110 = tpu.memref_squeeze %dma_wait3A_109 : memref<1x8x1024xf32, #tpu.memory_space<hbm>> -> memref<8x1024xf32, #tpu.memory_space<hbm>>
    tpu.wait_dma2 semaphore(%arg31 : memref<!tpu.dma_semaphore, #tpu.memory_space<semaphore_mem>>) src(%arg13 : memref<8x1024xf32, #tpu.memory_space<vmem>>) dst(%dma_wait3A_110 : memref<8x1024xf32, #tpu.memory_space<hbm>>)
    %add3A_111 = arith.constant 248 : i32
    %add3A_112 = arith.addi %mul3A_2, %add3A_111 : i32
    %dma_wait3A_113 = arith.constant 3 : i32
    %dma_wait3A_114 = arith.constant 0 : i32
    %dma_wait3A_115 = tpu.memref_slice %arg4[%dma_wait3A_113, %add3A_112, %dma_wait3A_114] : memref<4x8192x1024xf32, #tpu.memory_space<hbm>> -> memref<1x8x1024xf32, #tpu.memory_space<hbm>>
    %dma_wait3A_116 = tpu.memref_squeeze %dma_wait3A_115 : memref<1x8x1024xf32, #tpu.memory_space<hbm>> -> memref<8x1024xf32, #tpu.memory_space<hbm>>
    %dma_wait3A_117 = arith.constant 0 : i32
    %dma_wait3A_118 = tpu.memref_slice %arg4[%dma_wait3A_113, %add3A_112, %dma_wait3A_117] : memref<4x8192x1024xf32, #tpu.memory_space<hbm>> -> memref<1x8x1024xf32, #tpu.memory_space<hbm>>
    %dma_wait3A_119 = tpu.memref_squeeze %dma_wait3A_118 : memref<1x8x1024xf32, #tpu.memory_space<hbm>> -> memref<8x1024xf32, #tpu.memory_space<hbm>>
    tpu.wait_dma2 semaphore(%arg32 : memref<!tpu.dma_semaphore, #tpu.memory_space<semaphore_mem>>) src(%arg14 : memref<8x1024xf32, #tpu.memory_space<vmem>>) dst(%dma_wait3A_119 : memref<8x1024xf32, #tpu.memory_space<hbm>>)
    return
  }
}

</mosaic_0001>

<sc_bundles>
// kernel: kernel.3.cloned.1.call-start
scs
__scs_entry_jumppad:
0x0: {  	(pc) =	sbr.rel $0x88, $3  }
0x1: {  	(tag) =	ssettag $0x0;
	lr =	simm.s32 $0x1  }
0x2: {  	[smem:$0x3F9F] =	sst lr;
	_ =	strace $0xD0000000  }
0x3: {  	_ = 	snop  }
0x4: {  	_ = 	snop  }
0x5: {  	_ = 	snop  }
0x6: {  	_ = 	snop  }
0x7: {  	_ = 	snop  }
__scs_overlays_trampoline_lowered:
0x8: {  	[smem:$0x3FAE] =	sst s0  }
0x9: {  	[smem:$0x3FAF] =	sst s1  }
0xa: {  	[smem:$0x3FB0] =	sst s2  }
0xb: {  	[smem:$0x3FB1] =	sst s3  }
0xc: {  	[smem:$0x3FB2] =	sst s4  }
0xd: {  	[smem:$0x3FB3] =	sst s5  }
0xe: {  	[smem:$0x3FB4] =	sst s6  }
0xf: {  	[smem:$0x3FB5] =	sst s7  }
0x10: {  	[smem:$0x3FB6] =	sst s8  }
0x11: {  	[smem:$0x3FB7] =	sst s9;
	s0 =	simm.s32 @!p0 $0x0  }
0x12: {  	s1 =	sld [smem:$0x3F9D];
	s0 =	simm.s32 @p0 $0x1  }
0x13: {  	[smem:$0x3FB8] =	sst s0;
	s0 =	simm.s32 @!p1 $0x0  }
0x14: {  	s2 =	sld [smem:$0x3F9C];
	s0 =	simm.s32 @p1 $0x1  }
0x15: {  	[smem:$0x3FB9] =	sst s0;
	s0 =	simm.s32 @!p2 $0x0  }
0x16: {  	s3 =	sld [smem:$0x3FDB];
	s0 =	simm.s32 @p2 $0x1  }
0x17: {  	s4 =	simm.s32 $0x1BF5;
	[smem:$0x3FBB] =	sst s0  }
0x18: {  	s0 =	sld [smem:$0x3F9E];
	_ =	swait.ge [sflag:s4], $0x0  }
0x19: {  	s7 =	sld [smem:$0x3F9F]  }
0x1a: {  	s8 =	sadd.s32 $0xFFFFE003, lr  }
0x1b: {  	s9 =	sadd.s32 $0xFFFFFEF7, lr;
	s5 =	simm.s32 $0xFFFFFFFF;
	p2 =	slt.u32 s8, $0xFFFFF086  }
0x1c: {  	p1 =	slt.u32 s9, $0xF7A;
	s5 =	simm.s32 @!p2 $0x0  }
0x1d: {  	s5 =	simm.s32 @p1 $0x1;
	p0 =	seq.s32 s7, s2  }
0x1e: {  	s7 =	smul.u32 @!p0 $0xF7A, s2;
	p2 =	seq.s32 @!p0 s5, $0x0  }
0x1f: {  	s9 =	smul.u32 $0xF7A, s1;
	s8 =	simm.s32 @!p0 $0x1BF5;
	p2 =	por !p2, p0  }
0x20: {  	[sflag:s8] =	ssyncset.s32 @!p0 $0xFFFFF086;
	s6 =	sadd.s32 @!p0 s3, s7;
	s7 =	simm.s32 @!p0 $0x108  }
0x21: {  	s3 =	sadd.s32 s3, s9;
	s6 =	sadd.s32 @!p0 $0x88, s6;
	s7 =	simm.s32 @p2 $0x1082  }
0x22: {  	[simem:s7], [sflag:s8] =	dma.local @!p0 [hbm:s6], $0xF7A  }
0x23: {  	s9 =	sor.u32 $0xD0000000, s2;
	s6 =	simm.s32 $0x108;
	_ =	swait.ge @!p0 [sflag:s8], $0x0  }
0x24: {  	s3 =	sadd.s32 $0x88, s3;
	s6 =	simm.s32 @!p1 $0x1082;
	[sflag:s4] =	ssyncset.s32 $0xFFFFF086  }
0x25: {  	[simem:s6], [sflag:s4] =	dma.local [hbm:s3], $0xF7A  }
0x26: {  	[smem:$0x3F9F] =	sst s1;
	(tag) =	ssettag s2;
	_ =	strace s9  }
0x27: {  	s1 =	sld [smem:$0x3FAF]  }
0x28: {  	s2 =	sld [smem:$0x3FB0]  }
0x29: {  	s4 =	sld [smem:$0x3FB2]  }
0x2a: {  	p0 =	seq.s32 s5, $0x0;
	s5 =	sld [smem:$0x3FB3]  }
0x2b: {  	s6 =	sld [smem:$0x3FB4]  }
0x2c: {  	s7 =	sld [smem:$0x3FB5]  }
0x2d: {  	s3 =	simm.s32 $0x108;
	s8 =	sld [smem:$0x3FB6]  }
0x2e: {  	s3 =	simm.s32 @!p0 $0x1082;
	s9 =	sld [smem:$0x3FB7]  }
0x2f: {  	lr =	sadd.s32 s0, s3;
	s0 =	sld [smem:$0x3FAE]  }
0x30: {  	s3 =	sld [smem:$0x3FB1]  }
0x31: {  	[smem:$0x3FBA] =	sst s10  }
0x32: {  	s10 =	sld [smem:$0x3FB8];
	_ =	sdelay $0x3  }
0x33: {  	p0 =	seq.s32 s10, $0x1;
	s10 =	sld [smem:$0x3FBA];
	_ =	sdelay $0x3  }
0x34: {  	[smem:$0x3FBA] =	sst s10  }
0x35: {  	s10 =	sld [smem:$0x3FB9];
	_ =	sdelay $0x3  }
0x36: {  	p1 =	seq.s32 s10, $0x1;
	s10 =	sld [smem:$0x3FBA];
	_ =	sdelay $0x3  }
0x37: {  	[smem:$0x3FBA] =	sst s10  }
0x38: {  	s10 =	sld [smem:$0x3FBB]  }
0x39: {  	_ = 	snop;
	(pc) =	sbr.ind lr, $3  }
0x3a: {  	_ = 	snop  }
0x3b: {  	_ = 	snop  }
0x3c: {  	p2 =	seq.s32 s10, $0x1;
	s10 =	sld [smem:$0x3FBA]  }
0x3d: {  	_ =	shalt  }
0x3e: {  	_ =	shalt  }
0x3f: {  	_ =	shalt  }
0x40: {  	_ =	shalt  }
0x41: {  	_ =	shalt  }
0x42: {  	_ =	shalt  }
0x43: {  	_ =	shalt  }
0x44: {  	_ =	shalt  }
0x45: {  	_ =	shalt  }
0x46: {  	_ =	shalt  }
0x47: {  	_ =	shalt  }
0x48: {  	_ =	shalt  }
0x49: {  	_ =	shalt  }
0x4a: {  	_ =	shalt  }
0x4b: {  	_ =	shalt  }
0x4c: {  	_ =	shalt  }
0x4d: {  	_ =	shalt  }
0x4e: {  	_ =	shalt  }
0x4f: {  	_ =	shalt  }
0x50: {  	_ =	shalt  }
0x51: {  	_ =	shalt  }
0x52: {  	_ =	shalt  }
0x53: {  	_ =	shalt  }
0x54: {  	_ =	shalt  }
0x55: {  	_ =	shalt  }
0x56: {  	_ =	shalt  }
0x57: {  	_ =	shalt  }
0x58: {  	_ =	shalt  }
0x59: {  	_ =	shalt  }
0x5a: {  	_ =	shalt  }
0x5b: {  	_ =	shalt  }
0x5c: {  	_ =	shalt  }
0x5d: {  	_ =	shalt  }
0x5e: {  	_ =	shalt  }
0x5f: {  	_ =	shalt  }
0x60: {  	_ =	shalt  }
0x61: {  	_ =	shalt  }
0x62: {  	_ =	shalt  }
0x63: {  	_ =	shalt  }
0x64: {  	_ =	shalt  }
0x65: {  	_ =	shalt  }
0x66: {  	_ =	shalt  }
0x67: {  	_ =	shalt  }
0x68: {  	_ =	shalt  }
0x69: {  	_ =	shalt  }
0x6a: {  	_ =	shalt  }
0x6b: {  	_ =	shalt  }
0x6c: {  	_ =	shalt  }
0x6d: {  	_ =	shalt  }
0x6e: {  	_ =	shalt  }
0x6f: {  	_ =	shalt  }
0x70: {  	_ =	shalt  }
0x71: {  	_ =	shalt  }
0x72: {  	_ =	shalt  }
0x73: {  	_ =	shalt  }
0x74: {  	_ =	shalt  }
0x75: {  	_ =	shalt  }
0x76: {  	_ =	shalt  }
0x77: {  	_ =	shalt  }
0x78: {  	_ =	shalt  }
0x79: {  	_ =	shalt  }
0x7a: {  	_ =	shalt  }
0x7b: {  	_ =	shalt  }
0x7c: {  	_ =	shalt  }
0x7d: {  	_ =	shalt  }
0x7e: {  	_ =	shalt  }
0x7f: {  	_ =	shalt  }
0x80: {  	_ =	shalt  }
0x81: {  	_ =	shalt  }
0x82: {  	_ =	shalt  }
0x83: {  	_ =	shalt  }
0x84: {  	_ =	shalt  }
0x85: {  	_ =	shalt  }
0x86: {  	_ =	shalt  }
0x87: {  	_ =	shalt  }
.Lfunc_end0:
.L_simem_size_0:
called_computation_lowered:
.L_overlay_start_0:
0x88: {  	s2 =	sld [smem:$0x3FD9]  }
0x89: {  	s3 =	sld [smem:$0x3FFE];
	_ =	sdelay $0x1  }
0x8a: {  	s1 =	srdreg.scid  }
0x8b: {  	s0 =	sand.u32 $0x1, s1  }
0x8c: {  	s18 =	sshll.u32 s0, $0xA;
	s2 =	sadd.s32 s3, s2  }
0x8d: {  	s2 =	sadd.s32 s2, s18  }
0x8e: {  	[smem:$0x3FC6] =	sst s2  }
0x8f: {  	_ = 	snop  }
0x90: {  	s2 =	sld [smem:$0x3FC9]  }
0x91: {  	s19 =	sld [smem:$0x3FC8]  }
0x92: {  	s4 =	sld [smem:$0x3FD0];
	(tm) =	ssettm $0x1  }
0x93: {  	s5 =	sld [smem:$0x3FFB];
	_ =	sdelay $0x3  }
0x94: {  	_ =	strace s5  }
0x95: {  	s5 =	sld [smem:$0x3FFC];
	_ =	sdelay $0x3  }
0x96: {  	_ =	strace s5  }
0x97: {  	s5 =	sld [smem:$0x3FFD];
	_ =	sdelay $0x3  }
0x98: {  	_ =	strace s5  }
0x99: {  	_ =	strace $0x8FFFFFFF  }
0x9a: {  	s20 =	sld [smem:$0x3FDB];
	_ =	sdelay $0x1  }
0x9b: {  	s6 =	simm.s32 $_scs_section_size  }
0x9c: {  	s7 =	simm.s32 $_size__tile_overlayer_lowered;
	s8 =	simm.s32 $_tile_overlayer_lowered  }
0x9d: {  	s23 =	simm.s32 $0x1BFF;
	s22 =	sshll.u32 s8, $0x1;
	s5 =	sadd.s32 s6, s20  }
0x9e: {  	s9 =	simm.s32 $0x0;
	s21 =	sshll.u32 s7, $0x1;
	s7 =	sadd.s32 s22, s5  }
0x9f: {  	[timem:s9], [sflag:s23] =	dma.local [hbm:s7], s21  }
0xa0: {  	_ =	swait.ge [sflag:s23], s21  }
0xa1: {  	s6 =	ssub.s32 $0x0, s21;
	[sflag:s23] =	ssyncset.done $0x0  }
0xa2: {  	[sflag:s23] =	ssyncadd.s32 s6;
	_ =	sdelay $0x1  }
0xa3: {  	s24 =	simm.s32 $0x1B8B  }
0xa4: {  	_ =	swait.ge [sflag:s24], $0x1  }
0xa5: {  	[sflag:s24] =	ssyncset.done $0x0  }
0xa6: {  	s25 =	simm.s32 $0x1B8E;
	[sflag:s24] =	ssyncadd.s32 $0xFFFFFFFF  }
0xa7: {  	s26 =	simm.s32 $execute0_lowered;
	[smem:$0x3FD2] =	sst s25  }
0xa8: {  	s6 =	sshll.u32 s26, $0x1;
	_ =	strace $0x80000046;
	[dreg:$0x1] =	wrdreg $0xFFFFFFFF  }
0xa9: {  	s28 =	simm.s32 $_size_execute0_lowered;
	s5 =	sadd.s32 s5, s6;
	[dreg:$0x0] =	wrdreg $0x0  }
0xaa: {  	s6 =	sshll.u32 s28, $0x1;
	[dreg:$0x2] =	wrdreg s5  }
0xab: {  	[dreg:$0x3] =	wrdreg s6  }
0xac: {  	[dreg:$0x4] =	wrdreg $0xC0  }
0xad: {  	_ =	task [dreg:s9], $0x5FFFF  }
0xae: {  	[dreg:$0x1] =	wrdreg $0xFFFFFFFF  }
0xaf: {  	[dreg:$0x0] =	wrdreg $0x60  }
0xb0: {  	[dreg:$0x2] =	wrdreg s2  }
0xb1: {  	[dreg:$0x3] =	wrdreg s19  }
0xb2: {  	[dreg:$0x4] =	wrdreg s4  }
0xb3: {  	[dreg:$0x5] =	wrdreg $0x9  }
0xb4: {  	_ =	task.clear_ibuf [dreg:s9], $0x6FFFF;
	_ =	strace $0x90000046  }
0xb5: {  	s29 =	simm.s32 $0x9;
	_ =	strace $0x80000048  }
0xb6: {  	_ =	swait.ge [sflag:s29], $0x1  }
0xb7: {  	[sflag:s29] =	ssyncadd.s32 $0xFFFFFFFF  }
0xb8: {  	_ =	strace $0x90000048  }
0xb9: {  	_ =	sfence  }
0xba: {  	s30 =	sld [smem:$0x0];
	_ =	sdelay $0x2  }
0xbb: {  	s31 =	sshll.u32 s1, $0xD;
	s1 =	sshrl.u32 s1, $0x2  }
0xbc: {  	s3 =	sand.u32 $0x4000, s31;
	s1 =	sadd.s32 s1, s30  }
0xbd: {  	s0 =	sor.u32 s3, s0;
	s1 =	sshll.u32 s1, $0x11  }
0xbe: {  	s0 =	sor.u32 s1, s0  }
0xbf: {  	s0 =	sadd.s32 $0x8F2B, s0  }
0xc0: {  	[sflag:s0] =	ssyncadd.remote.s32 $0x1  }
0xc1: {  	_ =	sfence.sel $0xFFFF  }
0xc2: {  	[dreg:$0x0] =	wrdreg $0xFFFFFFFF;
	(pc) =	sbr.abs _section_cstart, $3  }
0xc3: {  	[dreg:$0x1] =	wrdreg $0xFFFFFFFF  }
0xc4: {  	_ =	task.clear_ibuf [dreg:s9], $0x2FFFF;
	_ =	strace $0x9FFFFFFF  }
0xc5: {  	(tm) =	ssettm $0x7FFFFFFF  }
tec
execute0_lowered:
.L_overlay_start_1:
0x0: {  	(tag) =	ssettag $0x1  }
0x1: {  	s1 =	rddreg [dreg:$0x0]  }
0x2: {  	s0 =	srdreg.scid;
	s24 =	rddreg [dreg:$0x1]  }
0x3: {  	s2 =	stileid.u32;
	s4 =	rddreg [dreg:$0x2]  }
0x4: {  	s5 =	simm.s32 $0x0;
	s14 =	simm.s32 $0x12000;
	s28 =	simm.s32 $0x4  }
0x5: {  	s29 =	simm.s32 $0x5;
	s0 =	sand.u32 $0x1, s0;
	s2 =	sshll.u32 s2, $0x9  }
0x6: {  	[smem:$0x7FF] =	sst s5;
	s23 =	sadd.s32 $0x100000, s4;
	s25 =	sadd.s32 $0x200000, s4  }
0x7: {  	s3 =	sshll.u32 s0, $0x8;
	_ =	strace $0x80000047;
	[dreg:$0xb] =	wrdreg s23  }
0x8: {  	s26 =	sadd.s32 $0x300000, s4;
	[dreg:$0xc] =	wrdreg s25;
	s2 =	sor.u32 s3, s2  }
0x9: {  	s30 =	simm.s32 $0x6;
	[dreg:$0xd] =	wrdreg s26;
	s6 =	sshll.u32 s2, $0x7  }
0xa: {  	s31 =	simm.s32 $0x2;
	s2 =	sshrl.u32 s2, $0x3;
	[dreg:$0x4] =	wrdreg s6  }
0xb: {  	s0 =	ssub.s32 $0x2, s0;
	s19 =	sadd.s32 s24, s6;
	[dreg:$0xa] =	wrdreg s2  }
0xc: {  	s18 =	sshrl.u32 s0, $0x1;
	s7 =	sadd.s32 s1, s6;
	[dreg:$0x6] =	wrdreg s19  }
0xd: {  	s0 =	ssub.s32 s0, s18;
	s2 =	sor.u32 $0x2, s2;
	[dreg:$0x5] =	wrdreg s7  }
0xe: {  	s8 =	simm.s32 $0x8;
	s0 =	smax.u32 s0, $0x1;
	[dreg:$0xe] =	wrdreg s2  }
0xf: {  	s9 =	simm.s32 $0x9;
	s20 =	sadd.s32 $0x100000, s7;
	[dreg:$0xf] =	wrdreg s0  }
0x10: {  	s11 =	simm.s32 $0xA;
	s21 =	sadd.s32 $0x200000, s7;
	[dreg:$0x7] =	wrdreg s20  }
0x11: {  	s6 =	simm.s32 $0x0;
	s22 =	sadd.s32 $0x300000, s7;
	[dreg:$0x8] =	wrdreg s21  }
0x12: {  	s2 =	simm.s32 $0x7;
	[dreg:$0x9] =	wrdreg s22;
	s21 =	simm.s32 $0xE000  }
.LBB2_1:
0x13: {  	[dreg:$0x10] =	wrdreg s6  }
0x14: {  	s0 =	rddreg [dreg:$0x6]  }
0x15: {  	[tilespmem:s5], [sflag:$0x1] =	stream.linear.gather [hbm4b:s0+s5], $0x2000, $0x38;
	[tilespmem:$0x14000] =	vst v63  }
0x16: {  	s18 =	rddreg [dreg:$0x5];
	s3 =	simm.s32 $0x4000  }
0x17: {  	[tilespmem:s3], [sflag:$0x3] =	stream.linear.gather [hbm4b:s18+s5], $0x2000, $0x38;
	[tilespmem:$0x14000] =	vst v63  }
0x18: {  	s19 =	rddreg [dreg:$0x7];
	s20 =	simm.s32 $0x6000  }
0x19: {  	[tilespmem:s20], [sflag:$0x4] =	stream.linear.gather [hbm4b:s19+s5], $0x2000, $0x38;
	[tilespmem:$0x14000] =	vst v63  }
0x1a: {  	s22 =	rddreg [dreg:$0x8];
	s23 =	simm.s32 $0x8000  }
0x1b: {  	[tilespmem:s23], [sflag:$0x5] =	stream.linear.gather [hbm4b:s22+s5], $0x2000, $0x38;
	[tilespmem:$0x14000] =	vst v63  }
0x1c: {  	s25 =	rddreg [dreg:$0x9];
	s26 =	simm.s32 $0xA000;
	s7 =	simm.s32 $0x0  }
0x1d: {  	[tilespmem:s26], [sflag:$0x6] =	stream.linear.gather [hbm4b:s25+s5], $0x2000, $0x38;
	[tilespmem:$0x14000] =	vst v63  }
.LBB2_2:
0x1e: {  	s18 =	sshll.u32 s7, $0x1;
	s0 =	rddreg [dreg:$0xa]  }
0x1f: {  	s0 =	sor.u32 s18, s0  }
0x20: {  	s22 =	sshll.u32 s0, $0xA  }
0x21: {  	s26 =	smov.u32 s24;
	s10 =	sor.u32 $0x400, s22  }
0x22: {  	s3 =	simm.s32 $0x2000;
	p0 =	seq.s32 s7, $0x0;
	s24 =	sadd.s32 s24, s10  }
0x23: {  	[tilespmem:s3], [sflag:$0x2] =	stream.linear.gather [hbm4b:s24+s5], $0x2000, $0x38;
	[tilespmem:$0x14000] =	vst v63  }
0x24: {  	s6 =	simm.s32 @p0 $0xC000;
	s0 =	sadd.s32 @p0 s1, s10;
	s3 =	simm.s32 @p0 $0x0  }
0x25: {  	[tilespmem:s6], [sflag:$0x7] =	stream.linear.gather @p0 [hbm4b:s0+s3], $0x2000, $0x38;
	[tilespmem:$0x14000] =	vst v63  }
0x26: {  	s0 =	simm.s32 @!p0 $0xF  }
0x27: {  	_ =	swait.ge @!p0 [sflag:s0], $0x2000  }
0x28: {  	s12 =	simm.s32 @!p0 $0xC000;
	[sflag:s0] =	ssyncset.done @!p0 $0x0  }
0x29: {  	s6 =	simm.s32 @!p0 $0x0;
	[sflag:s0] =	ssyncadd.s32 @!p0 $0xFFFFE000;
	s0 =	sadd.s32 @!p0 s1, s10  }
0x2a: {  	[tilespmem:s12], [sflag:$0x7] =	stream.linear.gather @!p0 [hbm4b:s0+s6], $0x2000, $0x38;
	[tilespmem:$0x14000] =	vst v63  }
0x2b: {  	s12 =	simm.s32 @!p0 $0x10  }
0x2c: {  	_ =	swait.ge @!p0 [sflag:s12], $0x2000  }
0x2d: {  	s0 =	sor.u32 $0x100400, s22;
	[sflag:s12] =	ssyncset.done @!p0 $0x0  }
0x2e: {  	s25 =	sadd.s32 s1, s0;
	[sflag:s12] =	ssyncadd.s32 @!p0 $0xFFFFE000;
	s12 =	sor.u32 @p0 $0x200400, s22  }
0x2f: {  	[tilespmem:s21], [sflag:$0x8] =	stream.linear.gather [hbm4b:s25+s5], $0x2000, $0x38;
	[tilespmem:$0x14000] =	vst v63  }
0x30: {  	s13 =	simm.s32 @p0 $0x10000;
	s12 =	sadd.s32 @p0 s1, s12  }
0x31: {  	[tilespmem:s13], [sflag:$0x9] =	stream.linear.gather @p0 [hbm4b:s12+s3], $0x2000, $0x38;
	[tilespmem:$0x14000] =	vst v63  }
0x32: {  	s3 =	simm.s32 @!p0 $0x11  }
0x33: {  	_ =	swait.ge @!p0 [sflag:s3], $0x2000  }
0x34: {  	s12 =	sor.u32 @!p0 $0x200400, s22;
	[sflag:s3] =	ssyncset.done @!p0 $0x0  }
0x35: {  	[sflag:s3] =	ssyncadd.s32 @!p0 $0xFFFFE000;
	s3 =	sadd.s32 @!p0 s1, s12;
	s12 =	simm.s32 @!p0 $0x10000  }
0x36: {  	[tilespmem:s12], [sflag:$0x9] =	stream.linear.gather @!p0 [hbm4b:s3+s6], $0x2000, $0x38;
	[tilespmem:$0x14000] =	vst v63  }
0x37: {  	s3 =	simm.s32 @!p0 $0x12  }
0x38: {  	_ =	swait.ge @!p0 [sflag:s3], $0x2000  }
0x39: {  	s17 =	sor.u32 $0x300400, s22;
	[sflag:s3] =	ssyncset.done @!p0 $0x0  }
0x3a: {  	s19 =	simm.s32 $0x0;
	s13 =	sadd.s32 s1, s17;
	[sflag:s3] =	ssyncadd.s32 @!p0 $0xFFFFE000  }
0x3b: {  	[tilespmem:s14], [sflag:$0xA] =	stream.linear.gather [hbm4b:s13+s19], $0x2000, $0x38;
	[tilespmem:$0x14000] =	vst v63  }
0x3c: {  	s14 =	simm.s32 $0x1  }
0x3d: {  	_ =	swait.ge [sflag:s14], $0x2000  }
0x3e: {  	[sflag:s14] =	ssyncset.done $0x0  }
0x3f: {  	s15 =	simm.s32 $0x3;
	[sflag:s14] =	ssyncadd.s32 $0xFFFFE000  }
0x40: {  	s16 =	sand.u32 $0x1C00, s19;
	_ =	swait.ge [sflag:s15], $0x2000  }
0x41: {  	s20 =	sor.u32 s16, s19;
	[sflag:s15] =	ssyncset.done $0x0  }
0x42: {  	s21 =	sand.u32 $0x380, s19;
	s6 =	sor.u32 $0x70, s20;
	[sflag:s15] =	ssyncadd.s32 $0xFFFFE000  }
0x43: {  	s3 =	sor.u32 s21, s16;
	v0 =	vld [tilespmem:s6+$0x0]  }
0x44: {  	v3 =	vld [tilespmem:s3+$0x0]  }
0x45: {  	v4 =	vld [tilespmem:s3+$0x10]  }
0x46: {  	v5 =	vld [tilespmem:s3+$0x20]  }
0x47: {  	v6 =	vld [tilespmem:s3+$0x30]  }
0x48: {  	v2 =	vld [tilespmem:s3+$0x40]  }
0x49: {  	v1 =	vld [tilespmem:s3+$0x50]  }
0x4a: {  	[tilespmem:s6+$0x4000] =	vst.add.f32.msk $0xffff, v0  }
0x4b: {  	s23 =	sor.u32 $0x4000, s3;
	v0 =	vld [tilespmem:s3+$0x60]  }
0x4c: {  	s12 =	sor.u32 $0x4010, s3;
	[tilespmem:s23+$0x0] =	vst.add.f32.msk $0xffff, v3  }
0x4d: {  	s24 =	sor.u32 $0x4020, s3;
	[tilespmem:s12+$0x0] =	vst.add.f32.msk $0xffff, v4  }
0x4e: {  	s20 =	simm.s32 $0x0;
	s21 =	simm.s32 $0x400;
	s25 =	sor.u32 $0x4030, s3;
	[tilespmem:s24+$0x0] =	vst.add.f32.msk $0xffff, v5  }
0x4f: {  	s12 =	sor.u32 $0x4040, s3;
	s6 =	sor.u32 $0x4050, s3;
	s3 =	sor.u32 $0x4060, s3;
	[tilespmem:s25+$0x0] =	vst.add.f32.msk $0xffff, v6  }
.LBB2_3:
0x50: {  	s13 =	sand.u32 $0x1C00, s21;
	s20 =	sadd.s32 $0x8, s20;
	[tilespmem:s12+$0x0] =	vst.add.f32.msk $0xffff, v2;
	s19 =	sadd.s32 $0x10, s19  }
0x51: {  	s12 =	sand.u32 $0x380, s19;
	s14 =	sor.u32 s13, s19;
	p0 =	slt.u32 s20, $0x1F8;
	[tilespmem:s6+$0x0] =	vst.add.f32.msk $0xffff, v1  }
0x52: {  	s13 =	sor.u32 s12, s13;
	s14 =	sor.u32 $0x70, s14;
	[tilespmem:s3+$0x0] =	vst.add.f32.msk $0xffff, v0  }
0x53: {  	s15 =	sor.u32 $0x4000, s13;
	s16 =	sor.u32 $0x4010, s13;
	s23 =	sor.u32 $0x4020, s13;
	v0 =	vld [tilespmem:s14+$0x0]  }
0x54: {  	s24 =	sor.u32 $0x4030, s13;
	s12 =	sor.u32 $0x4040, s13;
	s6 =	sor.u32 $0x4050, s13;
	v3 =	vld [tilespmem:s13+$0x0]  }
0x55: {  	s3 =	sor.u32 $0x4060, s13;
	v4 =	vld [tilespmem:s13+$0x10]  }
0x56: {  	v5 =	vld [tilespmem:s13+$0x20]  }
0x57: {  	v6 =	vld [tilespmem:s13+$0x30]  }
0x58: {  	[tilespmem:s14+$0x4000] =	vst.add.f32.msk $0xffff, v0  }
0x59: {  	v2 =	vld [tilespmem:s13+$0x40]  }
0x5a: {  	v1 =	vld [tilespmem:s13+$0x50]  }
.Ltmp0:
0x5b: {  	v0 =	vld [tilespmem:s13+$0x60];
	(pc) =	sbr.rel @p0 .LBB2_3-.Ltmp0, $4  }
0x5c: {  	[tilespmem:s15+$0x0] =	vst.add.f32.msk $0xffff, v3  }
0x5d: {  	[tilespmem:s16+$0x0] =	vst.add.f32.msk $0xffff, v4  }
0x5e: {  	[tilespmem:s23+$0x0] =	vst.add.f32.msk $0xffff, v5  }
0x5f: {  	s21 =	sadd.s32 $0x400, s21;
	[tilespmem:s24+$0x0] =	vst.add.f32.msk $0xffff, v6  }
0x60: {  	[tilespmem:s12+$0x0] =	vst.add.f32.msk $0xffff, v2  }
0x61: {  	[tilespmem:s6+$0x0] =	vst.add.f32.msk $0xffff, v1  }
0x62: {  	s13 =	sshll.u32 s7, $0xB;
	s6 =	rddreg [dreg:$0x4]  }
0x63: {  	s19 =	sadd.s32 s6, s13  }
0x64: {  	s20 =	simm.s32 $0x0;
	s15 =	simm.s32 $0x4000;
	[tilespmem:s3+$0x0] =	vst.add.f32.msk $0xffff, v0;
	s14 =	sadd.s32 s4, s19  }
0x65: {  	[hbm4b:s14+s20] =	stream.linear.scatter [tilespmem:s15], [sflag:$0xB], $0x2000, $0x38;
	[tilespmem:$0x14000] =	vst v63  }
0x66: {  	s16 =	sand.u32 $0x1C00, s20;
	_ =	swait.ge [sflag:s28], $0x2000  }
0x67: {  	s21 =	sor.u32 s16, s20;
	[sflag:s28] =	ssyncset.done $0x0  }
0x68: {  	s23 =	sand.u32 $0x380, s20;
	s6 =	sor.u32 $0x70, s21;
	[sflag:s28] =	ssyncadd.s32 $0xFFFFE000  }
0x69: {  	s3 =	sor.u32 s23, s16;
	v0 =	vld [tilespmem:s6+$0x0]  }
0x6a: {  	v3 =	vld [tilespmem:s3+$0x0]  }
0x6b: {  	v4 =	vld [tilespmem:s3+$0x10]  }
0x6c: {  	v5 =	vld [tilespmem:s3+$0x20]  }
0x6d: {  	v6 =	vld [tilespmem:s3+$0x30]  }
0x6e: {  	v2 =	vld [tilespmem:s3+$0x40]  }
0x6f: {  	v1 =	vld [tilespmem:s3+$0x50]  }
0x70: {  	[tilespmem:s6+$0x6000] =	vst.add.f32.msk $0xffff, v0  }
0x71: {  	s24 =	sor.u32 $0x6000, s3;
	v0 =	vld [tilespmem:s3+$0x60]  }
0x72: {  	s12 =	sor.u32 $0x6010, s3;
	[tilespmem:s24+$0x0] =	vst.add.f32.msk $0xffff, v3  }
0x73: {  	s25 =	sor.u32 $0x6020, s3;
	[tilespmem:s12+$0x0] =	vst.add.f32.msk $0xffff, v4  }
0x74: {  	s21 =	simm.s32 $0x0;
	s13 =	sor.u32 $0x6040, s3;
	s14 =	sor.u32 $0x6030, s3;
	[tilespmem:s25+$0x0] =	vst.add.f32.msk $0xffff, v5  }
0x75: {  	s12 =	sor.u32 $0x6050, s3;
	s6 =	sor.u32 $0x6060, s3;
	[tilespmem:s14+$0x0] =	vst.add.f32.msk $0xffff, v6;
	s3 =	simm.s32 $0x400  }
.LBB2_5:
0x76: {  	s14 =	sand.u32 $0x1C00, s3;
	s21 =	sadd.s32 $0x8, s21;
	[tilespmem:s13+$0x0] =	vst.add.f32.msk $0xffff, v2;
	s20 =	sadd.s32 $0x10, s20  }
0x77: {  	s13 =	sand.u32 $0x380, s20;
	s15 =	sor.u32 s14, s20;
	p0 =	slt.u32 s21, $0x1F8;
	[tilespmem:s12+$0x0] =	vst.add.f32.msk $0xffff, v1  }
0x78: {  	s14 =	sor.u32 s13, s14;
	s15 =	sor.u32 $0x70, s15;
	[tilespmem:s6+$0x0] =	vst.add.f32.msk $0xffff, v0  }
0x79: {  	s16 =	sor.u32 $0x6000, s14;
	s23 =	sor.u32 $0x6010, s14;
	s24 =	sor.u32 $0x6020, s14;
	v0 =	vld [tilespmem:s15+$0x0]  }
0x7a: {  	s25 =	sor.u32 $0x6030, s14;
	s13 =	sor.u32 $0x6040, s14;
	s12 =	sor.u32 $0x6050, s14;
	v3 =	vld [tilespmem:s14+$0x0]  }
0x7b: {  	s6 =	sor.u32 $0x6060, s14;
	v4 =	vld [tilespmem:s14+$0x10]  }
0x7c: {  	v5 =	vld [tilespmem:s14+$0x20]  }
0x7d: {  	v6 =	vld [tilespmem:s14+$0x30]  }
0x7e: {  	[tilespmem:s15+$0x6000] =	vst.add.f32.msk $0xffff, v0  }
0x7f: {  	v2 =	vld [tilespmem:s14+$0x40]  }
0x80: {  	v1 =	vld [tilespmem:s14+$0x50]  }
.Ltmp1:
0x81: {  	v0 =	vld [tilespmem:s14+$0x60];
	(pc) =	sbr.rel @p0 .LBB2_5-.Ltmp1, $4  }
0x82: {  	[tilespmem:s16+$0x0] =	vst.add.f32.msk $0xffff, v3  }
0x83: {  	[tilespmem:s23+$0x0] =	vst.add.f32.msk $0xffff, v4  }
0x84: {  	[tilespmem:s24+$0x0] =	vst.add.f32.msk $0xffff, v5  }
0x85: {  	s3 =	sadd.s32 $0x400, s3;
	[tilespmem:s25+$0x0] =	vst.add.f32.msk $0xffff, v6  }
0x86: {  	[tilespmem:s13+$0x0] =	vst.add.f32.msk $0xffff, v2  }
0x87: {  	[tilespmem:s12+$0x0] =	vst.add.f32.msk $0xffff, v1  }
0x88: {  	[tilespmem:s6+$0x0] =	vst.add.f32.msk $0xffff, v0  }
0x89: {  	s3 =	rddreg [dreg:$0xb]  }
0x8a: {  	s20 =	simm.s32 $0x0;
	s15 =	simm.s32 $0x6000;
	s3 =	sadd.s32 s19, s3  }
0x8b: {  	[hbm4b:s3+s20] =	stream.linear.scatter [tilespmem:s15], [sflag:$0xC], $0x2000, $0x38;
	[tilespmem:$0x14000] =	vst v63  }
0x8c: {  	s16 =	sand.u32 $0x1C00, s20;
	_ =	swait.ge [sflag:s29], $0x2000  }
0x8d: {  	s21 =	sor.u32 s16, s20;
	[sflag:s29] =	ssyncset.done $0x0  }
0x8e: {  	s23 =	sand.u32 $0x380, s20;
	s6 =	sor.u32 $0x70, s21;
	[sflag:s29] =	ssyncadd.s32 $0xFFFFE000  }
0x8f: {  	s3 =	sor.u32 s23, s16;
	v0 =	vld [tilespmem:s6+$0x0]  }
0x90: {  	v3 =	vld [tilespmem:s3+$0x0]  }
0x91: {  	v4 =	vld [tilespmem:s3+$0x10]  }
0x92: {  	v5 =	vld [tilespmem:s3+$0x20]  }
0x93: {  	v6 =	vld [tilespmem:s3+$0x30]  }
0x94: {  	v2 =	vld [tilespmem:s3+$0x40]  }
0x95: {  	v1 =	vld [tilespmem:s3+$0x50]  }
0x96: {  	[tilespmem:s6+$0x8000] =	vst.add.f32.msk $0xffff, v0  }
0x97: {  	s24 =	sor.u32 $0x8000, s3;
	v0 =	vld [tilespmem:s3+$0x60]  }
0x98: {  	s12 =	sor.u32 $0x8010, s3;
	[tilespmem:s24+$0x0] =	vst.add.f32.msk $0xffff, v3  }
0x99: {  	s25 =	sor.u32 $0x8020, s3;
	[tilespmem:s12+$0x0] =	vst.add.f32.msk $0xffff, v4  }
0x9a: {  	s21 =	simm.s32 $0x0;
	s14 =	sor.u32 $0x8030, s3;
	s13 =	sor.u32 $0x8040, s3;
	[tilespmem:s25+$0x0] =	vst.add.f32.msk $0xffff, v5  }
0x9b: {  	s12 =	sor.u32 $0x8050, s3;
	s6 =	sor.u32 $0x8060, s3;
	[tilespmem:s14+$0x0] =	vst.add.f32.msk $0xffff, v6;
	s3 =	simm.s32 $0x400  }
.LBB2_7:
0x9c: {  	s14 =	sand.u32 $0x1C00, s3;
	s21 =	sadd.s32 $0x8, s21;
	[tilespmem:s13+$0x0] =	vst.add.f32.msk $0xffff, v2;
	s20 =	sadd.s32 $0x10, s20  }
0x9d: {  	s13 =	sand.u32 $0x380, s20;
	s15 =	sor.u32 s14, s20;
	p0 =	slt.u32 s21, $0x1F8;
	[tilespmem:s12+$0x0] =	vst.add.f32.msk $0xffff, v1  }
0x9e: {  	s14 =	sor.u32 s13, s14;
	s15 =	sor.u32 $0x70, s15;
	[tilespmem:s6+$0x0] =	vst.add.f32.msk $0xffff, v0  }
0x9f: {  	s16 =	sor.u32 $0x8000, s14;
	s23 =	sor.u32 $0x8010, s14;
	s24 =	sor.u32 $0x8020, s14;
	v0 =	vld [tilespmem:s15+$0x0]  }
0xa0: {  	s25 =	sor.u32 $0x8030, s14;
	s13 =	sor.u32 $0x8040, s14;
	s12 =	sor.u32 $0x8050, s14;
	v3 =	vld [tilespmem:s14+$0x0]  }
0xa1: {  	s6 =	sor.u32 $0x8060, s14;
	v4 =	vld [tilespmem:s14+$0x10]  }
0xa2: {  	v5 =	vld [tilespmem:s14+$0x20]  }
0xa3: {  	v6 =	vld [tilespmem:s14+$0x30]  }
0xa4: {  	[tilespmem:s15+$0x8000] =	vst.add.f32.msk $0xffff, v0  }
0xa5: {  	v2 =	vld [tilespmem:s14+$0x40]  }
0xa6: {  	v1 =	vld [tilespmem:s14+$0x50]  }
.Ltmp2:
0xa7: {  	v0 =	vld [tilespmem:s14+$0x60];
	(pc) =	sbr.rel @p0 .LBB2_7-.Ltmp2, $4  }
0xa8: {  	[tilespmem:s16+$0x0] =	vst.add.f32.msk $0xffff, v3  }
0xa9: {  	[tilespmem:s23+$0x0] =	vst.add.f32.msk $0xffff, v4  }
0xaa: {  	[tilespmem:s24+$0x0] =	vst.add.f32.msk $0xffff, v5  }
0xab: {  	s3 =	sadd.s32 $0x400, s3;
	[tilespmem:s25+$0x0] =	vst.add.f32.msk $0xffff, v6  }
0xac: {  	[tilespmem:s13+$0x0] =	vst.add.f32.msk $0xffff, v2  }
0xad: {  	[tilespmem:s12+$0x0] =	vst.add.f32.msk $0xffff, v1  }
0xae: {  	[tilespmem:s6+$0x0] =	vst.add.f32.msk $0xffff, v0  }
0xaf: {  	s3 =	rddreg [dreg:$0xc]  }
0xb0: {  	s20 =	simm.s32 $0x0;
	s15 =	simm.s32 $0x8000;
	s3 =	sadd.s32 s19, s3  }
0xb1: {  	[hbm4b:s3+s20] =	stream.linear.scatter [tilespmem:s15], [sflag:$0xD], $0x2000, $0x38;
	[tilespmem:$0x14000] =	vst v63  }
0xb2: {  	s16 =	sand.u32 $0x1C00, s20;
	_ =	swait.ge [sflag:s30], $0x2000  }
0xb3: {  	s21 =	sor.u32 s16, s20;
	[sflag:s30] =	ssyncset.done $0x0  }
0xb4: {  	s23 =	sand.u32 $0x380, s20;
	s6 =	sor.u32 $0x70, s21;
	[sflag:s30] =	ssyncadd.s32 $0xFFFFE000  }
0xb5: {  	s3 =	sor.u32 s23, s16;
	v0 =	vld [tilespmem:s6+$0x0]  }
0xb6: {  	v3 =	vld [tilespmem:s3+$0x0]  }
0xb7: {  	v4 =	vld [tilespmem:s3+$0x10]  }
0xb8: {  	v5 =	vld [tilespmem:s3+$0x20]  }
0xb9: {  	v6 =	vld [tilespmem:s3+$0x30]  }
0xba: {  	v2 =	vld [tilespmem:s3+$0x40]  }
0xbb: {  	v1 =	vld [tilespmem:s3+$0x50]  }
0xbc: {  	[tilespmem:s6+$0xA000] =	vst.add.f32.msk $0xffff, v0  }
0xbd: {  	s24 =	sor.u32 $0xA000, s3;
	v0 =	vld [tilespmem:s3+$0x60]  }
0xbe: {  	s12 =	sor.u32 $0xA010, s3;
	[tilespmem:s24+$0x0] =	vst.add.f32.msk $0xffff, v3  }
0xbf: {  	s25 =	sor.u32 $0xA020, s3;
	[tilespmem:s12+$0x0] =	vst.add.f32.msk $0xffff, v4  }
0xc0: {  	s21 =	simm.s32 $0x0;
	s14 =	sor.u32 $0xA030, s3;
	s13 =	sor.u32 $0xA040, s3;
	[tilespmem:s25+$0x0] =	vst.add.f32.msk $0xffff, v5  }
0xc1: {  	s12 =	sor.u32 $0xA050, s3;
	s6 =	sor.u32 $0xA060, s3;
	[tilespmem:s14+$0x0] =	vst.add.f32.msk $0xffff, v6;
	s3 =	simm.s32 $0x400  }
.LBB2_9:
0xc2: {  	s14 =	sand.u32 $0x1C00, s3;
	s21 =	sadd.s32 $0x8, s21;
	[tilespmem:s13+$0x0] =	vst.add.f32.msk $0xffff, v2;
	s20 =	sadd.s32 $0x10, s20  }
0xc3: {  	s13 =	sand.u32 $0x380, s20;
	s15 =	sor.u32 s14, s20;
	p0 =	slt.u32 s21, $0x1F8;
	[tilespmem:s12+$0x0] =	vst.add.f32.msk $0xffff, v1  }
0xc4: {  	s14 =	sor.u32 s13, s14;
	s15 =	sor.u32 $0x70, s15;
	[tilespmem:s6+$0x0] =	vst.add.f32.msk $0xffff, v0  }
0xc5: {  	s16 =	sor.u32 $0xA000, s14;
	s23 =	sor.u32 $0xA010, s14;
	s24 =	sor.u32 $0xA020, s14;
	v0 =	vld [tilespmem:s15+$0x0]  }
0xc6: {  	s25 =	sor.u32 $0xA030, s14;
	s13 =	sor.u32 $0xA040, s14;
	s12 =	sor.u32 $0xA050, s14;
	v3 =	vld [tilespmem:s14+$0x0]  }
0xc7: {  	s6 =	sor.u32 $0xA060, s14;
	v4 =	vld [tilespmem:s14+$0x10]  }
0xc8: {  	v5 =	vld [tilespmem:s14+$0x20]  }
0xc9: {  	v6 =	vld [tilespmem:s14+$0x30]  }
0xca: {  	[tilespmem:s15+$0xA000] =	vst.add.f32.msk $0xffff, v0  }
0xcb: {  	v2 =	vld [tilespmem:s14+$0x40]  }
0xcc: {  	v1 =	vld [tilespmem:s14+$0x50]  }
.Ltmp3:
0xcd: {  	v0 =	vld [tilespmem:s14+$0x60];
	(pc) =	sbr.rel @p0 .LBB2_9-.Ltmp3, $4  }
0xce: {  	[tilespmem:s16+$0x0] =	vst.add.f32.msk $0xffff, v3  }
0xcf: {  	[tilespmem:s23+$0x0] =	vst.add.f32.msk $0xffff, v4  }
0xd0: {  	[tilespmem:s24+$0x0] =	vst.add.f32.msk $0xffff, v5  }
0xd1: {  	s3 =	sadd.s32 $0x400, s3;
	[tilespmem:s25+$0x0] =	vst.add.f32.msk $0xffff, v6  }
0xd2: {  	[tilespmem:s13+$0x0] =	vst.add.f32.msk $0xffff, v2  }
0xd3: {  	[tilespmem:s12+$0x0] =	vst.add.f32.msk $0xffff, v1  }
0xd4: {  	[tilespmem:s6+$0x0] =	vst.add.f32.msk $0xffff, v0  }
0xd5: {  	s3 =	rddreg [dreg:$0xd]  }
0xd6: {  	s16 =	simm.s32 $0xA000;
	s3 =	sadd.s32 s19, s3  }
0xd7: {  	[hbm4b:s3+s5] =	stream.linear.scatter [tilespmem:s16], [sflag:$0xE], $0x2000, $0x38;
	[tilespmem:$0x14000] =	vst v63  }
0xd8: {  	p0 =	seq.s32 s7, $0xF;
	s3 =	rddreg [dreg:$0xe]  }
0xd9: {  	s3 =	sadd.s32 @!p0 s18, s3  }
0xda: {  	s3 =	sshll.u32 @!p0 s3, $0xA  }
0xdb: {  	s12 =	simm.s32 @!p0 $0x0;
	s6 =	sadd.s32 @!p0 s26, s3  }
0xdc: {  	[tilespmem:s12], [sflag:$0x1] =	stream.linear.gather @!p0 [hbm4b:s6+s12], $0x2000, $0x38;
	[tilespmem:$0x14000] =	vst v63  }
0xdd: {  	s6 =	simm.s32 @!p0 $0xB  }
0xde: {  	_ =	swait.ge @!p0 [sflag:s6], $0x2000  }
0xdf: {  	[sflag:s6] =	ssyncset.done @!p0 $0x0  }
0xe0: {  	s13 =	simm.s32 @!p0 $0x4000;
	[sflag:s6] =	ssyncadd.s32 @!p0 $0xFFFFE000;
	s6 =	sadd.s32 @!p0 s1, s3  }
0xe1: {  	[tilespmem:s13], [sflag:$0x3] =	stream.linear.gather @!p0 [hbm4b:s6+s12], $0x2000, $0x38;
	[tilespmem:$0x14000] =	vst v63  }
0xe2: {  	s6 =	simm.s32 @!p0 $0xC  }
0xe3: {  	s13 =	sand.u32 @!p0 $0x1FFFFC00, s3;
	_ =	swait.ge @!p0 [sflag:s6], $0x2000  }
0xe4: {  	s13 =	sadd.s32 @!p0 s1, s13;
	[sflag:s6] =	ssyncset.done @!p0 $0x0  }
0xe5: {  	s14 =	simm.s32 @!p0 $0x6000;
	[sflag:s6] =	ssyncadd.s32 @!p0 $0xFFFFE000;
	s6 =	sadd.s32 @!p0 $0x100000, s13  }
0xe6: {  	[tilespmem:s14], [sflag:$0x4] =	stream.linear.gather @!p0 [hbm4b:s6+s12], $0x2000, $0x38;
	[tilespmem:$0x14000] =	vst v63  }
0xe7: {  	s6 =	simm.s32 @!p0 $0xD  }
0xe8: {  	_ =	swait.ge @!p0 [sflag:s6], $0x2000  }
0xe9: {  	s3 =	sor.u32 @!p0 $0x200000, s3;
	[sflag:s6] =	ssyncset.done @!p0 $0x0  }
0xea: {  	s3 =	sadd.s32 @!p0 s1, s3;
	[sflag:s6] =	ssyncadd.s32 @!p0 $0xFFFFE000;
	s6 =	simm.s32 @!p0 $0x8000  }
0xeb: {  	[tilespmem:s6], [sflag:$0x5] =	stream.linear.gather @!p0 [hbm4b:s3+s12], $0x2000, $0x38;
	[tilespmem:$0x14000] =	vst v63  }
0xec: {  	s3 =	simm.s32 @!p0 $0xE  }
0xed: {  	_ =	swait.ge @!p0 [sflag:s3], $0x2000  }
0xee: {  	[sflag:s3] =	ssyncset.done @!p0 $0x0  }
0xef: {  	s6 =	simm.s32 @!p0 $0xA000;
	[sflag:s3] =	ssyncadd.s32 @!p0 $0xFFFFE000;
	s3 =	sadd.s32 @!p0 $0x300000, s13  }
0xf0: {  	[tilespmem:s6], [sflag:$0x6] =	stream.linear.gather @!p0 [hbm4b:s3+s12], $0x2000, $0x38;
	[tilespmem:$0x14000] =	vst v63  }
0xf1: {  	_ =	swait.ge [sflag:s31], $0x2000  }
0xf2: {  	[sflag:s31] =	ssyncset.done $0x0  }
0xf3: {  	s18 =	simm.s32 $0x0;
	[sflag:s31] =	ssyncadd.s32 $0xFFFFE000  }
0xf4: {  	s19 =	sand.u32 $0x1C00, s18;
	_ =	swait.ge [sflag:s2], $0x2000  }
0xf5: {  	s20 =	sor.u32 s19, s18;
	[sflag:s2] =	ssyncset.done $0x0  }
0xf6: {  	s21 =	sand.u32 $0x380, s18;
	s6 =	sor.u32 $0x70, s20;
	[sflag:s2] =	ssyncadd.s32 $0xFFFFE000  }
0xf7: {  	s3 =	sor.u32 s21, s19;
	v0 =	vld [tilespmem:s6+$0x2000]  }
0xf8: {  	v3 =	vld [tilespmem:s3+$0x2000]  }
0xf9: {  	v4 =	vld [tilespmem:s3+$0x2010]  }
0xfa: {  	v5 =	vld [tilespmem:s3+$0x2020]  }
0xfb: {  	v6 =	vld [tilespmem:s3+$0x2030]  }
0xfc: {  	v2 =	vld [tilespmem:s3+$0x2040]  }
0xfd: {  	v1 =	vld [tilespmem:s3+$0x2050]  }
0xfe: {  	[tilespmem:s6+$0xC000] =	vst.add.f32.msk $0xffff, v0  }
0xff: {  	s23 =	sor.u32 $0xC000, s3;
	v0 =	vld [tilespmem:s3+$0x2060]  }
0x100: {  	s12 =	sor.u32 $0xC010, s3;
	[tilespmem:s23+$0x0] =	vst.add.f32.msk $0xffff, v3  }
0x101: {  	s24 =	smov.u32 s26;
	s25 =	sor.u32 $0xC020, s3;
	[tilespmem:s12+$0x0] =	vst.add.f32.msk $0xffff, v4  }
0x102: {  	s19 =	simm.s32 $0x0;
	s26 =	sor.u32 $0xC030, s3;
	s13 =	sor.u32 $0xC040, s3;
	[tilespmem:s25+$0x0] =	vst.add.f32.msk $0xffff, v5  }
0x103: {  	s12 =	sor.u32 $0xC050, s3;
	s6 =	sor.u32 $0xC060, s3;
	[tilespmem:s26+$0x0] =	vst.add.f32.msk $0xffff, v6;
	s3 =	simm.s32 $0x400  }
.LBB2_11:
0x104: {  	s14 =	sand.u32 $0x1C00, s3;
	s19 =	sadd.s32 $0x8, s19;
	[tilespmem:s13+$0x0] =	vst.add.f32.msk $0xffff, v2;
	s18 =	sadd.s32 $0x10, s18  }
0x105: {  	s13 =	sand.u32 $0x380, s18;
	s15 =	sor.u32 s14, s18;
	p0 =	slt.u32 s19, $0x1F8;
	[tilespmem:s12+$0x0] =	vst.add.f32.msk $0xffff, v1  }
0x106: {  	s14 =	sor.u32 s13, s14;
	s15 =	sor.u32 $0x70, s15;
	[tilespmem:s6+$0x0] =	vst.add.f32.msk $0xffff, v0  }
0x107: {  	s16 =	sor.u32 $0xC000, s14;
	s20 =	sor.u32 $0xC010, s14;
	s21 =	sor.u32 $0xC020, s14;
	v0 =	vld [tilespmem:s15+$0x2000]  }
0x108: {  	s23 =	sor.u32 $0xC030, s14;
	s13 =	sor.u32 $0xC040, s14;
	s12 =	sor.u32 $0xC050, s14;
	v3 =	vld [tilespmem:s14+$0x2000]  }
0x109: {  	s6 =	sor.u32 $0xC060, s14;
	v4 =	vld [tilespmem:s14+$0x2010]  }
0x10a: {  	v5 =	vld [tilespmem:s14+$0x2020]  }
0x10b: {  	v6 =	vld [tilespmem:s14+$0x2030]  }
0x10c: {  	[tilespmem:s15+$0xC000] =	vst.add.f32.msk $0xffff, v0  }
0x10d: {  	v2 =	vld [tilespmem:s14+$0x2040]  }
0x10e: {  	v1 =	vld [tilespmem:s14+$0x2050]  }
.Ltmp4:
0x10f: {  	v0 =	vld [tilespmem:s14+$0x2060];
	(pc) =	sbr.rel @p0 .LBB2_11-.Ltmp4, $4  }
0x110: {  	[tilespmem:s16+$0x0] =	vst.add.f32.msk $0xffff, v3  }
0x111: {  	[tilespmem:s20+$0x0] =	vst.add.f32.msk $0xffff, v4  }
0x112: {  	[tilespmem:s21+$0x0] =	vst.add.f32.msk $0xffff, v5  }
0x113: {  	s3 =	sadd.s32 $0x400, s3;
	[tilespmem:s23+$0x0] =	vst.add.f32.msk $0xffff, v6  }
0x114: {  	[tilespmem:s13+$0x0] =	vst.add.f32.msk $0xffff, v2  }
0x115: {  	[tilespmem:s12+$0x0] =	vst.add.f32.msk $0xffff, v1  }
0x116: {  	[tilespmem:s6+$0x0] =	vst.add.f32.msk $0xffff, v0;
	s3 =	sadd.s32 s4, s10;
	s10 =	simm.s32 $0x0;
	s19 =	simm.s32 $0xC000  }
0x117: {  	[hbm4b:s3+s10] =	stream.linear.scatter [tilespmem:s19], [sflag:$0xF], $0x2000, $0x38;
	[tilespmem:$0x14000] =	vst v63  }
0x118: {  	s20 =	sand.u32 $0x1C00, s10;
	_ =	swait.ge [sflag:s8], $0x2000  }
0x119: {  	s21 =	sor.u32 s20, s10;
	[sflag:s8] =	ssyncset.done $0x0  }
0x11a: {  	s23 =	sand.u32 $0x380, s10;
	s6 =	sor.u32 $0x70, s21;
	[sflag:s8] =	ssyncadd.s32 $0xFFFFE000  }
0x11b: {  	s3 =	sor.u32 s23, s20;
	v0 =	vld [tilespmem:s6+$0x2000]  }
0x11c: {  	v3 =	vld [tilespmem:s3+$0x2000]  }
0x11d: {  	v4 =	vld [tilespmem:s3+$0x2010]  }
0x11e: {  	v5 =	vld [tilespmem:s3+$0x2020]  }
0x11f: {  	v6 =	vld [tilespmem:s3+$0x2030]  }
0x120: {  	v2 =	vld [tilespmem:s3+$0x2040]  }
0x121: {  	v1 =	vld [tilespmem:s3+$0x2050]  }
0x122: {  	[tilespmem:s6+$0xE000] =	vst.add.f32.msk $0xffff, v0  }
0x123: {  	s25 =	sor.u32 $0xE000, s3;
	v0 =	vld [tilespmem:s3+$0x2060]  }
0x124: {  	s12 =	sor.u32 $0xE010, s3;
	[tilespmem:s25+$0x0] =	vst.add.f32.msk $0xffff, v3  }
0x125: {  	s26 =	sor.u32 $0xE020, s3;
	[tilespmem:s12+$0x0] =	vst.add.f32.msk $0xffff, v4  }
0x126: {  	s18 =	simm.s32 $0x0;
	s14 =	sor.u32 $0xE030, s3;
	s13 =	sor.u32 $0xE040, s3;
	[tilespmem:s26+$0x0] =	vst.add.f32.msk $0xffff, v5  }
0x127: {  	s12 =	sor.u32 $0xE050, s3;
	s6 =	sor.u32 $0xE060, s3;
	[tilespmem:s14+$0x0] =	vst.add.f32.msk $0xffff, v6;
	s3 =	simm.s32 $0x400  }
.LBB2_13:
0x128: {  	s14 =	sand.u32 $0x1C00, s3;
	s18 =	sadd.s32 $0x8, s18;
	[tilespmem:s13+$0x0] =	vst.add.f32.msk $0xffff, v2;
	s10 =	sadd.s32 $0x10, s10  }
0x129: {  	s13 =	sand.u32 $0x380, s10;
	s15 =	sor.u32 s14, s10;
	p0 =	slt.u32 s18, $0x1F8;
	[tilespmem:s12+$0x0] =	vst.add.f32.msk $0xffff, v1  }
0x12a: {  	s14 =	sor.u32 s13, s14;
	s15 =	sor.u32 $0x70, s15;
	[tilespmem:s6+$0x0] =	vst.add.f32.msk $0xffff, v0  }
0x12b: {  	s16 =	sor.u32 $0xE000, s14;
	s19 =	sor.u32 $0xE010, s14;
	s20 =	sor.u32 $0xE020, s14;
	v0 =	vld [tilespmem:s15+$0x2000]  }
0x12c: {  	s21 =	sor.u32 $0xE030, s14;
	s13 =	sor.u32 $0xE040, s14;
	s12 =	sor.u32 $0xE050, s14;
	v3 =	vld [tilespmem:s14+$0x2000]  }
0x12d: {  	s6 =	sor.u32 $0xE060, s14;
	v4 =	vld [tilespmem:s14+$0x2010]  }
0x12e: {  	v5 =	vld [tilespmem:s14+$0x2020]  }
0x12f: {  	v6 =	vld [tilespmem:s14+$0x2030]  }
0x130: {  	[tilespmem:s15+$0xE000] =	vst.add.f32.msk $0xffff, v0  }
0x131: {  	v2 =	vld [tilespmem:s14+$0x2040]  }
0x132: {  	v1 =	vld [tilespmem:s14+$0x2050]  }
.Ltmp5:
0x133: {  	v0 =	vld [tilespmem:s14+$0x2060];
	(pc) =	sbr.rel @p0 .LBB2_13-.Ltmp5, $4  }
0x134: {  	[tilespmem:s16+$0x0] =	vst.add.f32.msk $0xffff, v3  }
0x135: {  	[tilespmem:s19+$0x0] =	vst.add.f32.msk $0xffff, v4  }
0x136: {  	[tilespmem:s20+$0x0] =	vst.add.f32.msk $0xffff, v5  }
0x137: {  	s3 =	sadd.s32 $0x400, s3;
	[tilespmem:s21+$0x0] =	vst.add.f32.msk $0xffff, v6  }
0x138: {  	[tilespmem:s13+$0x0] =	vst.add.f32.msk $0xffff, v2  }
0x139: {  	[tilespmem:s12+$0x0] =	vst.add.f32.msk $0xffff, v1  }
0x13a: {  	[tilespmem:s6+$0x0] =	vst.add.f32.msk $0xffff, v0;
	s3 =	sadd.s32 s4, s0;
	s0 =	simm.s32 $0x0;
	s21 =	simm.s32 $0xE000  }
0x13b: {  	[hbm4b:s3+s0] =	stream.linear.scatter [tilespmem:s21], [sflag:$0x10], $0x2000, $0x38;
	[tilespmem:$0x14000] =	vst v63  }
0x13c: {  	s19 =	sand.u32 $0x1C00, s0;
	_ =	swait.ge [sflag:s9], $0x2000  }
0x13d: {  	s20 =	sor.u32 s19, s0;
	[sflag:s9] =	ssyncset.done $0x0  }
0x13e: {  	s10 =	sand.u32 $0x380, s0;
	s6 =	sor.u32 $0x70, s20;
	[sflag:s9] =	ssyncadd.s32 $0xFFFFE000  }
0x13f: {  	s3 =	sor.u32 s10, s19;
	v0 =	vld [tilespmem:s6+$0x2000]  }
0x140: {  	v3 =	vld [tilespmem:s3+$0x2000]  }
0x141: {  	v4 =	vld [tilespmem:s3+$0x2010]  }
0x142: {  	v5 =	vld [tilespmem:s3+$0x2020]  }
0x143: {  	v6 =	vld [tilespmem:s3+$0x2030]  }
0x144: {  	v2 =	vld [tilespmem:s3+$0x2040]  }
0x145: {  	v1 =	vld [tilespmem:s3+$0x2050]  }
0x146: {  	[tilespmem:s6+$0x10000] =	vst.add.f32.msk $0xffff, v0  }
0x147: {  	s23 =	sor.u32 $0x10000, s3;
	v0 =	vld [tilespmem:s3+$0x2060]  }
0x148: {  	s10 =	sor.u32 $0x10010, s3;
	[tilespmem:s23+$0x0] =	vst.add.f32.msk $0xffff, v3  }
0x149: {  	s25 =	sor.u32 $0x10020, s3;
	[tilespmem:s10+$0x0] =	vst.add.f32.msk $0xffff, v4  }
0x14a: {  	s26 =	sor.u32 $0x10030, s3;
	s12 =	sor.u32 $0x10040, s3;
	s18 =	sor.u32 $0x10060, s3;
	[tilespmem:s25+$0x0] =	vst.add.f32.msk $0xffff, v5  }
0x14b: {  	s10 =	simm.s32 $0x0;
	s6 =	sor.u32 $0x10050, s3;
	[tilespmem:s26+$0x0] =	vst.add.f32.msk $0xffff, v6;
	s3 =	simm.s32 $0x400  }
.LBB2_15:
0x14c: {  	s13 =	sand.u32 $0x1C00, s3;
	s10 =	sadd.s32 $0x8, s10;
	[tilespmem:s12+$0x0] =	vst.add.f32.msk $0xffff, v2;
	s0 =	sadd.s32 $0x10, s0  }
0x14d: {  	s12 =	sand.u32 $0x380, s0;
	s14 =	sor.u32 s13, s0;
	p0 =	slt.u32 s10, $0x1F8;
	[tilespmem:s6+$0x0] =	vst.add.f32.msk $0xffff, v1  }
0x14e: {  	s13 =	sor.u32 s12, s13;
	s14 =	sor.u32 $0x70, s14;
	[tilespmem:s18+$0x0] =	vst.add.f32.msk $0xffff, v0  }
0x14f: {  	s15 =	sor.u32 $0x10000, s13;
	s16 =	sor.u32 $0x10010, s13;
	s19 =	sor.u32 $0x10020, s13;
	v0 =	vld [tilespmem:s14+$0x2000]  }
0x150: {  	s20 =	sor.u32 $0x10030, s13;
	s12 =	sor.u32 $0x10040, s13;
	s6 =	sor.u32 $0x10050, s13;
	v3 =	vld [tilespmem:s13+$0x2000]  }
0x151: {  	s18 =	sor.u32 $0x10060, s13;
	v4 =	vld [tilespmem:s13+$0x2010]  }
0x152: {  	v5 =	vld [tilespmem:s13+$0x2020]  }
0x153: {  	v6 =	vld [tilespmem:s13+$0x2030]  }
0x154: {  	[tilespmem:s14+$0x10000] =	vst.add.f32.msk $0xffff, v0  }
0x155: {  	v2 =	vld [tilespmem:s13+$0x2040]  }
0x156: {  	v1 =	vld [tilespmem:s13+$0x2050]  }
.Ltmp6:
0x157: {  	v0 =	vld [tilespmem:s13+$0x2060];
	(pc) =	sbr.rel @p0 .LBB2_15-.Ltmp6, $4  }
0x158: {  	[tilespmem:s15+$0x0] =	vst.add.f32.msk $0xffff, v3  }
0x159: {  	[tilespmem:s16+$0x0] =	vst.add.f32.msk $0xffff, v4  }
0x15a: {  	[tilespmem:s19+$0x0] =	vst.add.f32.msk $0xffff, v5  }
0x15b: {  	s3 =	sadd.s32 $0x400, s3;
	[tilespmem:s20+$0x0] =	vst.add.f32.msk $0xffff, v6  }
0x15c: {  	[tilespmem:s12+$0x0] =	vst.add.f32.msk $0xffff, v2  }
0x15d: {  	[tilespmem:s6+$0x0] =	vst.add.f32.msk $0xffff, v1;
	s0 =	sor.u32 $0x200400, s22  }
0x15e: {  	[tilespmem:s18+$0x0] =	vst.add.f32.msk $0xffff, v0;
	s20 =	simm.s32 $0x10000;
	s3 =	sadd.s32 s4, s0;
	s0 =	simm.s32 $0x0  }
0x15f: {  	[hbm4b:s3+s0] =	stream.linear.scatter [tilespmem:s20], [sflag:$0x11], $0x2000, $0x38;
	[tilespmem:$0x14000] =	vst v63  }
0x160: {  	s22 =	sand.u32 $0x1C00, s0;
	_ =	swait.ge [sflag:s11], $0x2000  }
0x161: {  	s23 =	sor.u32 s22, s0;
	[sflag:s11] =	ssyncset.done $0x0  }
0x162: {  	s10 =	sand.u32 $0x380, s0;
	s6 =	sor.u32 $0x70, s23;
	[sflag:s11] =	ssyncadd.s32 $0xFFFFE000  }
0x163: {  	s3 =	sor.u32 s10, s22;
	v0 =	vld [tilespmem:s6+$0x2000]  }
0x164: {  	v3 =	vld [tilespmem:s3+$0x2000]  }
0x165: {  	v4 =	vld [tilespmem:s3+$0x2010]  }
0x166: {  	v5 =	vld [tilespmem:s3+$0x2020]  }
0x167: {  	v6 =	vld [tilespmem:s3+$0x2030]  }
0x168: {  	v2 =	vld [tilespmem:s3+$0x2040]  }
0x169: {  	v1 =	vld [tilespmem:s3+$0x2050]  }
0x16a: {  	[tilespmem:s6+$0x12000] =	vst.add.f32.msk $0xffff, v0  }
0x16b: {  	s25 =	sor.u32 $0x12000, s3;
	v0 =	vld [tilespmem:s3+$0x2060]  }
0x16c: {  	s10 =	sor.u32 $0x12010, s3;
	[tilespmem:s25+$0x0] =	vst.add.f32.msk $0xffff, v3  }
0x16d: {  	s26 =	sor.u32 $0x12020, s3;
	[tilespmem:s10+$0x0] =	vst.add.f32.msk $0xffff, v4  }
0x16e: {  	s14 =	sor.u32 $0x12030, s3;
	s13 =	sor.u32 $0x12040, s3;
	s12 =	sor.u32 $0x12050, s3;
	[tilespmem:s26+$0x0] =	vst.add.f32.msk $0xffff, v5  }
0x16f: {  	s10 =	simm.s32 $0x0;
	s6 =	sor.u32 $0x12060, s3;
	[tilespmem:s14+$0x0] =	vst.add.f32.msk $0xffff, v6;
	s3 =	simm.s32 $0x400  }
.LBB2_17:
0x170: {  	s14 =	sand.u32 $0x1C00, s3;
	s10 =	sadd.s32 $0x8, s10;
	[tilespmem:s13+$0x0] =	vst.add.f32.msk $0xffff, v2;
	s0 =	sadd.s32 $0x10, s0  }
0x171: {  	s13 =	sand.u32 $0x380, s0;
	s15 =	sor.u32 s14, s0;
	p0 =	slt.u32 s10, $0x1F8;
	[tilespmem:s12+$0x0] =	vst.add.f32.msk $0xffff, v1  }
0x172: {  	s14 =	sor.u32 s13, s14;
	s15 =	sor.u32 $0x70, s15;
	[tilespmem:s6+$0x0] =	vst.add.f32.msk $0xffff, v0  }
0x173: {  	s16 =	sor.u32 $0x12000, s14;
	s18 =	sor.u32 $0x12010, s14;
	s19 =	sor.u32 $0x12020, s14;
	v0 =	vld [tilespmem:s15+$0x2000]  }
0x174: {  	s20 =	sor.u32 $0x12030, s14;
	s13 =	sor.u32 $0x12040, s14;
	s12 =	sor.u32 $0x12050, s14;
	v3 =	vld [tilespmem:s14+$0x2000]  }
0x175: {  	s6 =	sor.u32 $0x12060, s14;
	v4 =	vld [tilespmem:s14+$0x2010]  }
0x176: {  	v5 =	vld [tilespmem:s14+$0x2020]  }
0x177: {  	v6 =	vld [tilespmem:s14+$0x2030]  }
0x178: {  	[tilespmem:s15+$0x12000] =	vst.add.f32.msk $0xffff, v0  }
0x179: {  	v2 =	vld [tilespmem:s14+$0x2040]  }
0x17a: {  	v1 =	vld [tilespmem:s14+$0x2050]  }
.Ltmp7:
0x17b: {  	v0 =	vld [tilespmem:s14+$0x2060];
	(pc) =	sbr.rel @p0 .LBB2_17-.Ltmp7, $4  }
0x17c: {  	[tilespmem:s16+$0x0] =	vst.add.f32.msk $0xffff, v3  }
0x17d: {  	[tilespmem:s18+$0x0] =	vst.add.f32.msk $0xffff, v4  }
0x17e: {  	[tilespmem:s19+$0x0] =	vst.add.f32.msk $0xffff, v5  }
0x17f: {  	s3 =	sadd.s32 $0x400, s3;
	[tilespmem:s20+$0x0] =	vst.add.f32.msk $0xffff, v6  }
0x180: {  	s7 =	sadd.s32 $0x1, s7  }
0x181: {  	p0 =	sne.s32 s7, $0x10  }
.Ltmp8:
0x182: {  	_ = 	snop;
	(pc) =	sbr.rel @p0 .LBB2_2-.Ltmp8, $4  }
0x183: {  	[tilespmem:s13+$0x0] =	vst.add.f32.msk $0xffff, v2  }
0x184: {  	[tilespmem:s12+$0x0] =	vst.add.f32.msk $0xffff, v1  }
0x185: {  	[tilespmem:s6+$0x0] =	vst.add.f32.msk $0xffff, v0;
	s0 =	sadd.s32 s4, s17;
	s14 =	simm.s32 $0x12000  }
0x186: {  	[hbm4b:s0+s5] =	stream.linear.scatter [tilespmem:s14], [sflag:$0x12], $0x2000, $0x38;
	[tilespmem:$0x14000] =	vst v63  }
0x187: {  	s0 =	simm.s32 $0xB  }
0x188: {  	_ =	swait.ge [sflag:s0], $0x2000  }
0x189: {  	[sflag:s0] =	ssyncset.done $0x0  }
0x18a: {  	s18 =	simm.s32 $0xC;
	[sflag:s0] =	ssyncadd.s32 $0xFFFFE000  }
0x18b: {  	_ =	swait.ge [sflag:s18], $0x2000  }
0x18c: {  	[sflag:s18] =	ssyncset.done $0x0  }
0x18d: {  	s19 =	simm.s32 $0xD;
	[sflag:s18] =	ssyncadd.s32 $0xFFFFE000  }
0x18e: {  	_ =	swait.ge [sflag:s19], $0x2000  }
0x18f: {  	[sflag:s19] =	ssyncset.done $0x0  }
0x190: {  	s20 =	simm.s32 $0xE;
	[sflag:s19] =	ssyncadd.s32 $0xFFFFE000  }
0x191: {  	_ =	swait.ge [sflag:s20], $0x2000  }
0x192: {  	[sflag:s20] =	ssyncset.done $0x0  }
0x193: {  	s22 =	simm.s32 $0xF;
	[sflag:s20] =	ssyncadd.s32 $0xFFFFE000  }
0x194: {  	_ =	swait.ge [sflag:s22], $0x2000  }
0x195: {  	[sflag:s22] =	ssyncset.done $0x0  }
0x196: {  	s23 =	simm.s32 $0x10;
	[sflag:s22] =	ssyncadd.s32 $0xFFFFE000  }
0x197: {  	_ =	swait.ge [sflag:s23], $0x2000  }
0x198: {  	[sflag:s23] =	ssyncset.done $0x0  }
0x199: {  	s25 =	simm.s32 $0x11;
	[sflag:s23] =	ssyncadd.s32 $0xFFFFE000  }
0x19a: {  	_ =	swait.ge [sflag:s25], $0x2000  }
0x19b: {  	[sflag:s25] =	ssyncset.done $0x0  }
0x19c: {  	s3 =	simm.s32 $0x12;
	[sflag:s25] =	ssyncadd.s32 $0xFFFFE000  }
0x19d: {  	_ =	swait.ge [sflag:s3], $0x2000  }
0x19e: {  	s6 =	rddreg [dreg:$0x10]  }
0x19f: {  	s26 =	rddreg [dreg:$0xf];
	s6 =	sadd.s32 $0x1, s6  }
0x1a0: {  	p0 =	sne.s32 s6, s26  }
.Ltmp9:
0x1a1: {  	_ = 	snop;
	(pc) =	sbr.rel @p0 .LBB2_1-.Ltmp9, $3  }
0x1a2: {  	_ =	sdelay $0x1  }
0x1a3: {  	[sflag:s3] =	ssyncset.done $0x0  }
0x1a4: {  	[sflag:s3] =	ssyncadd.s32 $0xFFFFE000  }
0x1a5: {  	_ =	sfence.sel $0x180000  }
0x1a6: {  	[bflag:$0x0] =	sbarrier.arrive $0xFFFF  }
0x1a7: {  	_ =	strace $0x90000047  }
0x1a8: {  	s0 =	stileid.u32;
	[bflag:$0x2] =	sbarrier.arrive $0xFFFF  }
0x1a9: {  	p0 =	sne.s32 s0, $0x0;
	s0 =	rddreg [dreg:$0x3]  }
0x1aa: {  	s0 =	sadd.s32 @!p0 $0x100000, s0  }
0x1ab: {  	[sflag:s0] =	ssyncadd.tile.s32 @!p0 $0x1;
	_ =	shalt  }
.Lfunc_end2:
_tile_overlayer_lowered:
.L_overlay_start_2:
0x1ac: {  	(tag) =	ssettag $0x2  }
0x1ad: {  	s0 =	rddreg [dreg:$0x0];
	s2 =	stileid.u32  }
0x1ae: {  	s1 =	rddreg [dreg:$0x1];
	p0 =	sne.s32 s2, $0x0  }
0x1af: {  	s3 =	rddreg [dreg:$0x2];
	[bflag:$0x3] =	sbarrier.arrive $0xFFFF;
	s2 =	simm.s32 @!p0 $0x1C13  }
0x1b0: {  	[timem:s3], [sflag:s2] =	dma.local @!p0 [hbm:s0], s1  }
0x1b1: {  	s0 =	simm.s32 @!p0 $0x13  }
0x1b2: {  	_ =	swait.ge @!p0 [sflag:s0], s1  }
0x1b3: {  	s1 =	ssub.s32 @!p0 $0x0, s1;
	[sflag:s0] =	ssyncset.done @!p0 $0x0  }
0x1b4: {  	[sflag:s0] =	ssyncadd.s32 @!p0 s1  }
0x1b5: {  	[bflag:$0x3] =	sbarrier.arrive $0xFFFF  }
0x1b6: {  	_ =	shalt  }

</sc_bundles>
